<compile_context>
chip_gen: v7x
topology: tpu7x:2x2x1
jax: 0.10.2.dev20260603
libtpu: 0.0.44.dev20260713+nightly
codegen_flags: <defaults>
</compile_context>

<pallas_src>
import functools

import jax
import jax.numpy as jnp
from jax import lax
from jax.experimental import pallas as pl
from jax.experimental.pallas import tpu as pltpu
from jax.experimental.pallas import tpu_sc as plsc

B = 16384
D = 64
HID = 256
NW = 32
BPW = B // NW
CH = 128


LAG = 24


def _sc_gather(ct3, dt3, cell_idx, drug_idx, nb=B):
    mesh = plsc.VectorSubcoreMesh(core_axis_name="c", subcore_axis_name="s")
    bpw = nb // NW

    @functools.partial(
        pl.kernel,
        mesh=mesh,
        compiler_params=pltpu.CompilerParams(
            use_tc_tiling_on_sc=True, needs_layout_passes=False),
        out_type=[
            jax.ShapeDtypeStruct((nb // 8, 8, D), jnp.float32),
            jax.ShapeDtypeStruct((nb // 8, 8, D), jnp.float32),
        ],
        scratch_types=[
            pltpu.VMEM((bpw,), jnp.int32),
            pltpu.VMEM((bpw,), jnp.int32),
            pltpu.VMEM((CH // 8, 8, D), jnp.float32),
            pltpu.VMEM((CH // 8, 8, D), jnp.float32),
            pltpu.SemaphoreType.DMA,
            pltpu.SemaphoreType.DMA,
        ],
    )
    def k(ct_hbm, dt_hbm, ci_hbm, di_hbm, c_out, d_out,
          ci_v, di_v, crows, drows, csem, dsem):
        wid = lax.axis_index("s") * 2 + lax.axis_index("c")
        base = wid * bpw
        pltpu.sync_copy(ci_hbm.at[pl.ds(base, bpw)], ci_v)
        pltpu.sync_copy(di_hbm.at[pl.ds(base, bpw)], di_v)
        lanes = lax.iota(jnp.int32, 16)

        for ch in range(bpw // CH):

            def fire(i, _, ch=ch):
                blk = ch * CH + ((i >> 4) << 4)
                lane = i & 15
                cvec = ci_v[pl.ds(blk, 16)]
                dvec = di_v[pl.ds(blk, 16)]
                ci = jnp.max(jnp.where(lanes == lane, cvec, 0))
                di = jnp.max(jnp.where(lanes == lane, dvec, 0))
                pltpu.async_copy(ct_hbm.at[ci >> 3, ci & 7],
                                 crows.at[i >> 3, i & 7], csem)
                pltpu.async_copy(dt_hbm.at[di >> 3, di & 7],
                                 drows.at[i >> 3, i & 7], dsem)

                @pl.when(i >= LAG)
                def _():
                    pltpu.make_async_copy(
                        ct_hbm.at[0, 0], crows.at[0, 0], csem).wait()
                    pltpu.make_async_copy(
                        dt_hbm.at[0, 0], drows.at[0, 0], dsem).wait()
                return _

            lax.fori_loop(0, CH, fire, None)

            def drain(i, _):
                pltpu.make_async_copy(
                    ct_hbm.at[0, 0], crows.at[0, 0], csem).wait()
                pltpu.make_async_copy(
                    dt_hbm.at[0, 0], drows.at[0, 0], dsem).wait()
                return _

            lax.fori_loop(0, LAG, drain, None)
            obase = wid * (bpw // 8) + ch * (CH // 8)
            pltpu.sync_copy(crows, c_out.at[pl.ds(obase, CH // 8)])
            pltpu.sync_copy(drows, d_out.at[pl.ds(obase, CH // 8)])

    return k(ct3, dt3, cell_idx, drug_idx)


def _gelu(x):
    return 0.5 * x * (1.0 + lax.erf(x * 0.7071067811865476))


BLK = 1024


def _mlp_body(c_ref, d_ref, w1c_ref, w1d_ref, b1_ref,
              w2_ref, b2_ref, w3_ref, b3_ref, o_ref):
    c = c_ref[...]
    d = d_ref[...]
    x1 = (jnp.dot(c, w1c_ref[...], preferred_element_type=jnp.float32)
          + jnp.dot(d, w1d_ref[...], preferred_element_type=jnp.float32)
          + b1_ref[...])
    h = _gelu(x1)
    h = _gelu(jnp.dot(h, w2_ref[...], preferred_element_type=jnp.float32)
              + b2_ref[...])
    o_ref[...] = (jnp.dot(h, w3_ref[...], preferred_element_type=jnp.float32)
                  + b3_ref[...])


def _mlp_tc(c, d, W1c, W1d, b1, W2, b2, W3, b3, nb=B):
    grid = (nb // BLK,)
    return pl.pallas_call(
        _mlp_body,
        grid=grid,
        in_specs=[
            pl.BlockSpec((BLK, D), lambda i: (i, 0)),
            pl.BlockSpec((BLK, D), lambda i: (i, 0)),
            pl.BlockSpec((D, HID), lambda i: (0, 0)),
            pl.BlockSpec((D, HID), lambda i: (0, 0)),
            pl.BlockSpec((1, HID), lambda i: (0, 0)),
            pl.BlockSpec((HID, HID), lambda i: (0, 0)),
            pl.BlockSpec((1, HID), lambda i: (0, 0)),
            pl.BlockSpec((HID, 1), lambda i: (0, 0)),
            pl.BlockSpec((1, 1), lambda i: (0, 0)),
        ],
        out_specs=pl.BlockSpec((BLK, 1), lambda i: (i, 0)),
        out_shape=jax.ShapeDtypeStruct((nb, 1), jnp.float32),
    )(c, d, W1c, W1d, b1, W2, b2, W3, b3)


NSPLIT = 2


def kernel(cell_idx, drug_idx, cell_table, drug_table, W1, b1, W2, b2, W3, b3):
    ci = cell_idx.astype(jnp.int32)
    di = drug_idx.astype(jnp.int32)
    ct3 = cell_table.reshape(cell_table.shape[0] // 8, 8, D)
    dt3 = drug_table.reshape(drug_table.shape[0] // 8, 8, D)
    W1c = W1[:D]
    W1d = W1[D:]
    b1r = b1.reshape(1, HID)
    b2r = b2.reshape(1, HID)
    b3r = b3.reshape(1, 1)
    nb = B // NSPLIT
    ys = []
    for h in range(NSPLIT):
        s = slice(h * nb, (h + 1) * nb)
        c3, d3 = _sc_gather(ct3, dt3, ci[s], di[s], nb=nb)
        ys.append(_mlp_tc(c3.reshape(nb, D), d3.reshape(nb, D),
                          W1c, W1d, b1r, W2, b2r, W3, b3r, nb=nb))
    return jnp.concatenate(ys, axis=0).reshape(B)

# --- scband reference (transcript-rebuilt; emitter-appended) ---
"""Pipeline reference for scband-baseline-model-43834436223208 (READ-ONLY COPY).

The authoritative reference and input builder live on the scoring server;
editing this copy changes nothing except your own understanding.
"""

import jax, jax.numpy as jnp
import numpy as np

NUM_CELLS = 100000
NUM_DRUGS = 1000000
EMB_DIM = 64
HIDDEN = 256
BATCH = 16384


def setup_inputs(seed: int = 0) -> dict:
    key = jax.random.key(seed)
    ks = jax.random.split(key, 12)
    cell_idx = jax.random.randint(ks[0], (BATCH,), 0, NUM_CELLS, dtype=jnp.int64 if jax.config.jax_enable_x64 else jnp.int32)
    drug_idx = jax.random.randint(ks[1], (BATCH,), 0, NUM_DRUGS, dtype=jnp.int64 if jax.config.jax_enable_x64 else jnp.int32)
    cell_table = jax.random.normal(ks[2], (NUM_CELLS, EMB_DIM), dtype=jnp.float32)
    drug_table = jax.random.normal(ks[3], (NUM_DRUGS, EMB_DIM), dtype=jnp.float32)
    # xavier-uniform linear weights stored as [in, out]
    def xavier(k, fan_in, fan_out):
        limit = jnp.sqrt(6.0 / (fan_in + fan_out))
        return jax.random.uniform(k, (fan_in, fan_out), minval=-limit, maxval=limit, dtype=jnp.float32)
    W1 = xavier(ks[4], EMB_DIM * 2, HIDDEN)
    b1 = jnp.zeros((HIDDEN,), dtype=jnp.float32)
    W2 = xavier(ks[5], HIDDEN, HIDDEN)
    b2 = jnp.zeros((HIDDEN,), dtype=jnp.float32)
    W3 = xavier(ks[6], HIDDEN, 1)
    b3 = jnp.zeros((1,), dtype=jnp.float32)
    return {"cell_idx": cell_idx, "drug_idx": drug_idx, "cell_table": cell_table, "drug_table": drug_table, "W1": W1, "b1": b1, "W2": W2, "b2": b2, "W3": W3, "b3": b3}


def reference(cell_idx, drug_idx, cell_table, drug_table, W1, b1, W2, b2, W3, b3):
    # embedding lookups (SparseCore gather)
    c = jnp.take(cell_table, cell_idx, axis=0)
    d = jnp.take(drug_table, drug_idx, axis=0)
    x = jnp.concatenate([c, d], axis=-1)
    # MLP: Linear -> GELU -> (dropout=identity in eval) -> Linear -> GELU -> Linear
    h = jax.nn.gelu(x @ W1 + b1, approximate=False)
    h = jax.nn.gelu(h @ W2 + b2, approximate=False)
    y = (h @ W3 + b3).squeeze(-1)
    return y

if __name__ == "__main__":
    import jax
    _d = setup_inputs()
    print(jax.jit(kernel)(*tuple(_d.values())))

</pallas_src>

<mosaic_0001>
#map = affine_map<(d0, d1) -> (0, 0, 0)>
#map1 = affine_map<(d0, d1) -> (0)>
module attributes {stable_mosaic.version = 14 : i64} {
  func.func @k(%arg0: i32, %arg1: i32, %arg2: memref<12500x8x64xf32, #tpu.memory_space<hbm>>, %arg3: memref<125000x8x64xf32, #tpu.memory_space<hbm>>, %arg4: memref<8192xi32, #tpu.memory_space<hbm>>, %arg5: memref<8192xi32, #tpu.memory_space<hbm>>, %arg6: memref<1024x8x64xf32, #tpu.memory_space<hbm>>, %arg7: memref<1024x8x64xf32, #tpu.memory_space<hbm>>, %arg8: memref<256xi32, #tpu.memory_space<vmem>>, %arg9: memref<256xi32, #tpu.memory_space<vmem>>, %arg10: memref<16x8x64xf32, #tpu.memory_space<vmem>>, %arg11: memref<16x8x64xf32, #tpu.memory_space<vmem>>, %arg12: memref<!tpu.dma_semaphore, #tpu.memory_space<semaphore_mem>>, %arg13: memref<!tpu.dma_semaphore, #tpu.memory_space<semaphore_mem>>) attributes {dimension_semantics = [#tpu.dimension_semantics<core_parallel>, #tpu.dimension_semantics<subcore_parallel>], iteration_bounds = array<i64: 2, 16>, scalar_prefetch = 0 : i64, scratch_operands = 6 : i64, tpu.core_type = #tpu.core_type<sc_vector_subcore>, window_params = [{transform_indices = #map}, {transform_indices = #map}, {transform_indices = #map1}, {transform_indices = #map1}, {transform_indices = #map}, {transform_indices = #map}]} {
    %mul3A = arith.constant 2 : i32
    %mul3A_0 = arith.muli %arg1, %mul3A : i32
    %add3A = arith.addi %mul3A_0, %arg0 : i32
    %mul3A_1 = arith.constant 256 : i32
    %mul3A_2 = arith.muli %add3A, %mul3A_1 : i32
    "tpu.region"() ({
      %run_scoped3A = tpu.sem_alloc : memref<!tpu.dma_semaphore, #tpu.memory_space<semaphore_mem>>
      %dma_start3A = tpu.memref_slice %arg4[%mul3A_2] : memref<8192xi32, #tpu.memory_space<hbm>> -> memref<256xi32, #tpu.memory_space<hbm>>
      %dma_start3A_30 = tpu.memref_slice %arg4[%mul3A_2] : memref<8192xi32, #tpu.memory_space<hbm>> -> memref<256xi32, #tpu.memory_space<hbm>>
      tpu.enqueue_dma source(%dma_start3A_30 : memref<256xi32, #tpu.memory_space<hbm>>) target(%arg8 : memref<256xi32, #tpu.memory_space<vmem>>) target_semaphore(%run_scoped3A : memref<!tpu.dma_semaphore, #tpu.memory_space<semaphore_mem>>)
      %dma_wait3A = tpu.memref_slice %arg4[%mul3A_2] : memref<8192xi32, #tpu.memory_space<hbm>> -> memref<256xi32, #tpu.memory_space<hbm>>
      %dma_wait3A_31 = tpu.memref_slice %arg4[%mul3A_2] : memref<8192xi32, #tpu.memory_space<hbm>> -> memref<256xi32, #tpu.memory_space<hbm>>
      tpu.wait_dma2 semaphore(%run_scoped3A : memref<!tpu.dma_semaphore, #tpu.memory_space<semaphore_mem>>) src(%dma_wait3A_31 : memref<256xi32, #tpu.memory_space<hbm>>) dst(%arg8 : memref<256xi32, #tpu.memory_space<vmem>>)
      tpu.yield
    }) : () -> ()
    "tpu.region"() ({
      %run_scoped3A = tpu.sem_alloc : memref<!tpu.dma_semaphore, #tpu.memory_space<semaphore_mem>>
      %dma_start3A = tpu.memref_slice %arg5[%mul3A_2] : memref<8192xi32, #tpu.memory_space<hbm>> -> memref<256xi32, #tpu.memory_space<hbm>>
      %dma_start3A_30 = tpu.memref_slice %arg5[%mul3A_2] : memref<8192xi32, #tpu.memory_space<hbm>> -> memref<256xi32, #tpu.memory_space<hbm>>
      tpu.enqueue_dma source(%dma_start3A_30 : memref<256xi32, #tpu.memory_space<hbm>>) target(%arg9 : memref<256xi32, #tpu.memory_space<vmem>>) target_semaphore(%run_scoped3A : memref<!tpu.dma_semaphore, #tpu.memory_space<semaphore_mem>>)
      %dma_wait3A = tpu.memref_slice %arg5[%mul3A_2] : memref<8192xi32, #tpu.memory_space<hbm>> -> memref<256xi32, #tpu.memory_space<hbm>>
      %dma_wait3A_31 = tpu.memref_slice %arg5[%mul3A_2] : memref<8192xi32, #tpu.memory_space<hbm>> -> memref<256xi32, #tpu.memory_space<hbm>>
      tpu.wait_dma2 semaphore(%run_scoped3A : memref<!tpu.dma_semaphore, #tpu.memory_space<semaphore_mem>>) src(%dma_wait3A_31 : memref<256xi32, #tpu.memory_space<hbm>>) dst(%arg9 : memref<256xi32, #tpu.memory_space<vmem>>)
      tpu.yield
    }) : () -> ()
    %iota3A = tpu.iota {dimensions = array<i32: 0>} : vector<16xi32>
    %scan3A = arith.constant 0 : i32
    %scan3A_3 = arith.constant 128 : i32
    %scan3A_4 = arith.addi %scan3A, %scan3A_3 : i32
    %scan3A_5 = arith.constant 1 : i32
    scf.for %scan3A_30 = %scan3A to %scan3A_4 step %scan3A_5  : i32 {
      %shift_right_arithmetic3A = arith.constant 4 : i32
      %shift_right_arithmetic3A_31 = arith.shrsi %scan3A_30, %shift_right_arithmetic3A : i32
      %shift_left3A = arith.constant 4 : i32
      %shift_left3A_32 = arith.shli %shift_right_arithmetic3A_31, %shift_left3A : i32
      %add3A_33 = arith.constant 0 : i32
      %add3A_34 = arith.addi %add3A_33, %shift_left3A_32 : i32
      %and3A = arith.constant 15 : i32
      %and3A_35 = arith.andi %scan3A_30, %and3A : i32
      %get3A = arith.index_cast %add3A_34 : i32 to index
      %get3A_36 = tpu.vector_load %arg8[%get3A] {strides = array<i32>} : memref<256xi32, #tpu.memory_space<vmem>>, vector<16xi32>,
      %get3A_37 = arith.index_cast %add3A_34 : i32 to index
      %get3A_38 = tpu.vector_load %arg9[%get3A_37] {strides = array<i32>} : memref<256xi32, #tpu.memory_space<vmem>>, vector<16xi32>,
      %eq3A = vector.broadcast %and3A_35 : i32 to vector<16xi32>
      %eq3A_39 = arith.cmpi eq, %iota3A, %eq3A : vector<16xi32>
      %jit3A = arith.constant 0 : i32
      %broadcast_in_dim3A = vector.broadcast %jit3A : i32 to vector<16xi32>
      %select_n3A = arith.select %eq3A_39, %get3A_36, %broadcast_in_dim3A : vector<16xi1>, vector<16xi32>
      %reduce_max3A = arith.constant true
      %reduce_max3A_40 = vector.broadcast %reduce_max3A : i1 to vector<16xi1>
      %reduce_max3A_41 = arith.constant -2147483648 : i32
      %reduce_max3A_42 = vector.broadcast %reduce_max3A_41 : i32 to vector<16xi32>
      %reduce_max3A_43 = arith.xori %select_n3A, %reduce_max3A_42 : vector<16xi32>
      %reduce_max3A_44 = tpu.scan <max>, %reduce_max3A_43 masked %reduce_max3A_40 : vector<16xi32>, vector<16xi1> -> vector<16xi32>
      %reduce_max3A_45 = arith.xori %reduce_max3A_44, %reduce_max3A_42 : vector<16xi32>
      %reduce_max3A_46 = vector.extract %reduce_max3A_45[15] : i32 from vector<16xi32>
      %eq3A_47 = vector.broadcast %and3A_35 : i32 to vector<16xi32>
      %eq3A_48 = arith.cmpi eq, %iota3A, %eq3A_47 : vector<16xi32>
      %jit3A_49 = arith.constant 0 : i32
      %broadcast_in_dim3A_50 = vector.broadcast %jit3A_49 : i32 to vector<16xi32>
      %select_n3A_51 = arith.select %eq3A_48, %get3A_38, %broadcast_in_dim3A_50 : vector<16xi1>, vector<16xi32>
      %reduce_max3A_52 = arith.constant true
      %reduce_max3A_53 = vector.broadcast %reduce_max3A_52 : i1 to vector<16xi1>
      %reduce_max3A_54 = arith.constant -2147483648 : i32
      %reduce_max3A_55 = vector.broadcast %reduce_max3A_54 : i32 to vector<16xi32>
      %reduce_max3A_56 = arith.xori %select_n3A_51, %reduce_max3A_55 : vector<16xi32>
      %reduce_max3A_57 = tpu.scan <max>, %reduce_max3A_56 masked %reduce_max3A_53 : vector<16xi32>, vector<16xi1> -> vector<16xi32>
      %reduce_max3A_58 = arith.xori %reduce_max3A_57, %reduce_max3A_55 : vector<16xi32>
      %reduce_max3A_59 = vector.extract %reduce_max3A_58[15] : i32 from vector<16xi32>
      %shift_right_arithmetic3A_60 = arith.constant 3 : i32
      %shift_right_arithmetic3A_61 = arith.shrsi %reduce_max3A_46, %shift_right_arithmetic3A_60 : i32
      %and3A_62 = arith.constant 7 : i32
      %and3A_63 = arith.andi %reduce_max3A_46, %and3A_62 : i32
      %shift_right_arithmetic3A_64 = arith.constant 3 : i32
      %shift_right_arithmetic3A_65 = arith.shrsi %scan3A_30, %shift_right_arithmetic3A_64 : i32
      %and3A_66 = arith.constant 7 : i32
      %and3A_67 = arith.andi %scan3A_30, %and3A_66 : i32
      %dma_start3A = arith.constant 0 : i32
      %dma_start3A_68 = tpu.memref_slice %arg10[%shift_right_arithmetic3A_65, %and3A_67, %dma_start3A] : memref<16x8x64xf32, #tpu.memory_space<vmem>> -> memref<1x1x64xf32, #tpu.memory_space<vmem>>
      %dma_start3A_69 = tpu.memref_squeeze %dma_start3A_68 : memref<1x1x64xf32, #tpu.memory_space<vmem>> -> memref<64xf32, #tpu.memory_space<vmem>>
      %dma_start3A_70 = arith.constant 0 : i32
      %dma_start3A_71 = tpu.memref_slice %arg2[%shift_right_arithmetic3A_61, %and3A_63, %dma_start3A_70] : memref<12500x8x64xf32, #tpu.memory_space<hbm>> -> memref<1x1x64xf32, #tpu.memory_space<hbm>>
      %dma_start3A_72 = tpu.memref_squeeze %dma_start3A_71 : memref<1x1x64xf32, #tpu.memory_space<hbm>> -> memref<64xf32, #tpu.memory_space<hbm>>
      %dma_start3A_73 = arith.constant 0 : i32
      %dma_start3A_74 = tpu.memref_slice %arg10[%shift_right_arithmetic3A_65, %and3A_67, %dma_start3A_73] : memref<16x8x64xf32, #tpu.memory_space<vmem>> -> memref<1x1x64xf32, #tpu.memory_space<vmem>>
      %dma_start3A_75 = tpu.memref_squeeze %dma_start3A_74 : memref<1x1x64xf32, #tpu.memory_space<vmem>> -> memref<64xf32, #tpu.memory_space<vmem>>
      %dma_start3A_76 = arith.constant 0 : i32
      %dma_start3A_77 = tpu.memref_slice %arg2[%shift_right_arithmetic3A_61, %and3A_63, %dma_start3A_76] : memref<12500x8x64xf32, #tpu.memory_space<hbm>> -> memref<1x1x64xf32, #tpu.memory_space<hbm>>
      %dma_start3A_78 = tpu.memref_squeeze %dma_start3A_77 : memref<1x1x64xf32, #tpu.memory_space<hbm>> -> memref<64xf32, #tpu.memory_space<hbm>>
      tpu.enqueue_dma source(%dma_start3A_78 : memref<64xf32, #tpu.memory_space<hbm>>) target(%dma_start3A_75 : memref<64xf32, #tpu.memory_space<vmem>>) target_semaphore(%arg12 : memref<!tpu.dma_semaphore, #tpu.memory_space<semaphore_mem>>)
      %shift_right_arithmetic3A_79 = arith.constant 3 : i32
      %shift_right_arithmetic3A_80 = arith.shrsi %reduce_max3A_59, %shift_right_arithmetic3A_79 : i32
      %and3A_81 = arith.constant 7 : i32
      %and3A_82 = arith.andi %reduce_max3A_59, %and3A_81 : i32
      %shift_right_arithmetic3A_83 = arith.constant 3 : i32
      %shift_right_arithmetic3A_84 = arith.shrsi %scan3A_30, %shift_right_arithmetic3A_83 : i32
      %and3A_85 = arith.constant 7 : i32
      %and3A_86 = arith.andi %scan3A_30, %and3A_85 : i32
      %dma_start3A_87 = arith.constant 0 : i32
      %dma_start3A_88 = tpu.memref_slice %arg11[%shift_right_arithmetic3A_84, %and3A_86, %dma_start3A_87] : memref<16x8x64xf32, #tpu.memory_space<vmem>> -> memref<1x1x64xf32, #tpu.memory_space<vmem>>
      %dma_start3A_89 = tpu.memref_squeeze %dma_start3A_88 : memref<1x1x64xf32, #tpu.memory_space<vmem>> -> memref<64xf32, #tpu.memory_space<vmem>>
      %dma_start3A_90 = arith.constant 0 : i32
      %dma_start3A_91 = tpu.memref_slice %arg3[%shift_right_arithmetic3A_80, %and3A_82, %dma_start3A_90] : memref<125000x8x64xf32, #tpu.memory_space<hbm>> -> memref<1x1x64xf32, #tpu.memory_space<hbm>>
      %dma_start3A_92 = tpu.memref_squeeze %dma_start3A_91 : memref<1x1x64xf32, #tpu.memory_space<hbm>> -> memref<64xf32, #tpu.memory_space<hbm>>
      %dma_start3A_93 = arith.constant 0 : i32
      %dma_start3A_94 = tpu.memref_slice %arg11[%shift_right_arithmetic3A_84, %and3A_86, %dma_start3A_93] : memref<16x8x64xf32, #tpu.memory_space<vmem>> -> memref<1x1x64xf32, #tpu.memory_space<vmem>>
      %dma_start3A_95 = tpu.memref_squeeze %dma_start3A_94 : memref<1x1x64xf32, #tpu.memory_space<vmem>> -> memref<64xf32, #tpu.memory_space<vmem>>
      %dma_start3A_96 = arith.constant 0 : i32
      %dma_start3A_97 = tpu.memref_slice %arg3[%shift_right_arithmetic3A_80, %and3A_82, %dma_start3A_96] : memref<125000x8x64xf32, #tpu.memory_space<hbm>> -> memref<1x1x64xf32, #tpu.memory_space<hbm>>
      %dma_start3A_98 = tpu.memref_squeeze %dma_start3A_97 : memref<1x1x64xf32, #tpu.memory_space<hbm>> -> memref<64xf32, #tpu.memory_space<hbm>>
      tpu.enqueue_dma source(%dma_start3A_98 : memref<64xf32, #tpu.memory_space<hbm>>) target(%dma_start3A_95 : memref<64xf32, #tpu.memory_space<vmem>>) target_semaphore(%arg13 : memref<!tpu.dma_semaphore, #tpu.memory_space<semaphore_mem>>)
      %ge3A = arith.constant 24 : i32
      %ge3A_99 = arith.cmpi sge, %scan3A_30, %ge3A : i32
      %convert_element_type3A = arith.extui %ge3A_99 : i1 to i32
      %cond3A = arith.constant 0 : i32
      %cond3A_100 = arith.cmpi ne, %convert_element_type3A, %cond3A : i32
      scf.if %cond3A_100 {
        %dma_wait3A = arith.constant 0 : i32
        %dma_wait3A_101 = arith.constant 0 : i32
        %dma_wait3A_102 = arith.constant 0 : i32
        %dma_wait3A_103 = arith.constant 0 : i32
        %dma_wait3A_104 = arith.constant 0 : i32
        %dma_wait3A_105 = tpu.memref_slice %arg10[%dma_wait3A_102, %dma_wait3A_103, %dma_wait3A_104] : memref<16x8x64xf32, #tpu.memory_space<vmem>> -> memref<1x1x64xf32, #tpu.memory_space<vmem>>
        %dma_wait3A_106 = tpu.memref_squeeze %dma_wait3A_105 : memref<1x1x64xf32, #tpu.memory_space<vmem>> -> memref<64xf32, #tpu.memory_space<vmem>>
        %dma_wait3A_107 = arith.constant 0 : i32
        %dma_wait3A_108 = tpu.memref_slice %arg2[%dma_wait3A, %dma_wait3A_101, %dma_wait3A_107] : memref<12500x8x64xf32, #tpu.memory_space<hbm>> -> memref<1x1x64xf32, #tpu.memory_space<hbm>>
        %dma_wait3A_109 = tpu.memref_squeeze %dma_wait3A_108 : memref<1x1x64xf32, #tpu.memory_space<hbm>> -> memref<64xf32, #tpu.memory_space<hbm>>
        %dma_wait3A_110 = arith.constant 0 : i32
        %dma_wait3A_111 = tpu.memref_slice %arg10[%dma_wait3A_102, %dma_wait3A_103, %dma_wait3A_110] : memref<16x8x64xf32, #tpu.memory_space<vmem>> -> memref<1x1x64xf32, #tpu.memory_space<vmem>>
        %dma_wait3A_112 = tpu.memref_squeeze %dma_wait3A_111 : memref<1x1x64xf32, #tpu.memory_space<vmem>> -> memref<64xf32, #tpu.memory_space<vmem>>
        %dma_wait3A_113 = arith.constant 0 : i32
        %dma_wait3A_114 = tpu.memref_slice %arg2[%dma_wait3A, %dma_wait3A_101, %dma_wait3A_113] : memref<12500x8x64xf32, #tpu.memory_space<hbm>> -> memref<1x1x64xf32, #tpu.memory_space<hbm>>
        %dma_wait3A_115 = tpu.memref_squeeze %dma_wait3A_114 : memref<1x1x64xf32, #tpu.memory_space<hbm>> -> memref<64xf32, #tpu.memory_space<hbm>>
        tpu.wait_dma2 semaphore(%arg12 : memref<!tpu.dma_semaphore, #tpu.memory_space<semaphore_mem>>) src(%dma_wait3A_115 : memref<64xf32, #tpu.memory_space<hbm>>) dst(%dma_wait3A_112 : memref<64xf32, #tpu.memory_space<vmem>>)
        %dma_wait3A_116 = arith.constant 0 : i32
        %dma_wait3A_117 = arith.constant 0 : i32
        %dma_wait3A_118 = arith.constant 0 : i32
        %dma_wait3A_119 = arith.constant 0 : i32
        %dma_wait3A_120 = arith.constant 0 : i32
        %dma_wait3A_121 = tpu.memref_slice %arg11[%dma_wait3A_118, %dma_wait3A_119, %dma_wait3A_120] : memref<16x8x64xf32, #tpu.memory_space<vmem>> -> memref<1x1x64xf32, #tpu.memory_space<vmem>>
        %dma_wait3A_122 = tpu.memref_squeeze %dma_wait3A_121 : memref<1x1x64xf32, #tpu.memory_space<vmem>> -> memref<64xf32, #tpu.memory_space<vmem>>
        %dma_wait3A_123 = arith.constant 0 : i32
        %dma_wait3A_124 = tpu.memref_slice %arg3[%dma_wait3A_116, %dma_wait3A_117, %dma_wait3A_123] : memref<125000x8x64xf32, #tpu.memory_space<hbm>> -> memref<1x1x64xf32, #tpu.memory_space<hbm>>
        %dma_wait3A_125 = tpu.memref_squeeze %dma_wait3A_124 : memref<1x1x64xf32, #tpu.memory_space<hbm>> -> memref<64xf32, #tpu.memory_space<hbm>>
        %dma_wait3A_126 = arith.constant 0 : i32
        %dma_wait3A_127 = tpu.memref_slice %arg11[%dma_wait3A_118, %dma_wait3A_119, %dma_wait3A_126] : memref<16x8x64xf32, #tpu.memory_space<vmem>> -> memref<1x1x64xf32, #tpu.memory_space<vmem>>
        %dma_wait3A_128 = tpu.memref_squeeze %dma_wait3A_127 : memref<1x1x64xf32, #tpu.memory_space<vmem>> -> memref<64xf32, #tpu.memory_space<vmem>>
        %dma_wait3A_129 = arith.constant 0 : i32
        %dma_wait3A_130 = tpu.memref_slice %arg3[%dma_wait3A_116, %dma_wait3A_117, %dma_wait3A_129] : memref<125000x8x64xf32, #tpu.memory_space<hbm>> -> memref<1x1x64xf32, #tpu.memory_space<hbm>>
        %dma_wait3A_131 = tpu.memref_squeeze %dma_wait3A_130 : memref<1x1x64xf32, #tpu.memory_space<hbm>> -> memref<64xf32, #tpu.memory_space<hbm>>
        tpu.wait_dma2 semaphore(%arg13 : memref<!tpu.dma_semaphore, #tpu.memory_space<semaphore_mem>>) src(%dma_wait3A_131 : memref<64xf32, #tpu.memory_space<hbm>>) dst(%dma_wait3A_128 : memref<64xf32, #tpu.memory_space<vmem>>)
      } else {
      }
    }
    %scan3A_6 = arith.constant 128 : i32
    %scan3A_7 = arith.constant 0 : i32
    %scan3A_8 = arith.constant 24 : i32
    %scan3A_9 = arith.addi %scan3A_7, %scan3A_8 : i32
    %scan3A_10 = arith.constant 1 : i32
    scf.for %scan3A_30 = %scan3A_7 to %scan3A_9 step %scan3A_10  : i32 {
      %dma_wait3A = arith.constant 0 : i32
      %dma_wait3A_31 = arith.constant 0 : i32
      %dma_wait3A_32 = arith.constant 0 : i32
      %dma_wait3A_33 = arith.constant 0 : i32
      %dma_wait3A_34 = arith.constant 0 : i32
      %dma_wait3A_35 = tpu.memref_slice %arg10[%dma_wait3A_32, %dma_wait3A_33, %dma_wait3A_34] : memref<16x8x64xf32, #tpu.memory_space<vmem>> -> memref<1x1x64xf32, #tpu.memory_space<vmem>>
      %dma_wait3A_36 = tpu.memref_squeeze %dma_wait3A_35 : memref<1x1x64xf32, #tpu.memory_space<vmem>> -> memref<64xf32, #tpu.memory_space<vmem>>
      %dma_wait3A_37 = arith.constant 0 : i32
      %dma_wait3A_38 = tpu.memref_slice %arg2[%dma_wait3A, %dma_wait3A_31, %dma_wait3A_37] : memref<12500x8x64xf32, #tpu.memory_space<hbm>> -> memref<1x1x64xf32, #tpu.memory_space<hbm>>
      %dma_wait3A_39 = tpu.memref_squeeze %dma_wait3A_38 : memref<1x1x64xf32, #tpu.memory_space<hbm>> -> memref<64xf32, #tpu.memory_space<hbm>>
      %dma_wait3A_40 = arith.constant 0 : i32
      %dma_wait3A_41 = tpu.memref_slice %arg10[%dma_wait3A_32, %dma_wait3A_33, %dma_wait3A_40] : memref<16x8x64xf32, #tpu.memory_space<vmem>> -> memref<1x1x64xf32, #tpu.memory_space<vmem>>
      %dma_wait3A_42 = tpu.memref_squeeze %dma_wait3A_41 : memref<1x1x64xf32, #tpu.memory_space<vmem>> -> memref<64xf32, #tpu.memory_space<vmem>>
      %dma_wait3A_43 = arith.constant 0 : i32
      %dma_wait3A_44 = tpu.memref_slice %arg2[%dma_wait3A, %dma_wait3A_31, %dma_wait3A_43] : memref<12500x8x64xf32, #tpu.memory_space<hbm>> -> memref<1x1x64xf32, #tpu.memory_space<hbm>>
      %dma_wait3A_45 = tpu.memref_squeeze %dma_wait3A_44 : memref<1x1x64xf32, #tpu.memory_space<hbm>> -> memref<64xf32, #tpu.memory_space<hbm>>
      tpu.wait_dma2 semaphore(%arg12 : memref<!tpu.dma_semaphore, #tpu.memory_space<semaphore_mem>>) src(%dma_wait3A_45 : memref<64xf32, #tpu.memory_space<hbm>>) dst(%dma_wait3A_42 : memref<64xf32, #tpu.memory_space<vmem>>)
      %dma_wait3A_46 = arith.constant 0 : i32
      %dma_wait3A_47 = arith.constant 0 : i32
      %dma_wait3A_48 = arith.constant 0 : i32
      %dma_wait3A_49 = arith.constant 0 : i32
      %dma_wait3A_50 = arith.constant 0 : i32
      %dma_wait3A_51 = tpu.memref_slice %arg11[%dma_wait3A_48, %dma_wait3A_49, %dma_wait3A_50] : memref<16x8x64xf32, #tpu.memory_space<vmem>> -> memref<1x1x64xf32, #tpu.memory_space<vmem>>
      %dma_wait3A_52 = tpu.memref_squeeze %dma_wait3A_51 : memref<1x1x64xf32, #tpu.memory_space<vmem>> -> memref<64xf32, #tpu.memory_space<vmem>>
      %dma_wait3A_53 = arith.constant 0 : i32
      %dma_wait3A_54 = tpu.memref_slice %arg3[%dma_wait3A_46, %dma_wait3A_47, %dma_wait3A_53] : memref<125000x8x64xf32, #tpu.memory_space<hbm>> -> memref<1x1x64xf32, #tpu.memory_space<hbm>>
      %dma_wait3A_55 = tpu.memref_squeeze %dma_wait3A_54 : memref<1x1x64xf32, #tpu.memory_space<hbm>> -> memref<64xf32, #tpu.memory_space<hbm>>
      %dma_wait3A_56 = arith.constant 0 : i32
      %dma_wait3A_57 = tpu.memref_slice %arg11[%dma_wait3A_48, %dma_wait3A_49, %dma_wait3A_56] : memref<16x8x64xf32, #tpu.memory_space<vmem>> -> memref<1x1x64xf32, #tpu.memory_space<vmem>>
      %dma_wait3A_58 = tpu.memref_squeeze %dma_wait3A_57 : memref<1x1x64xf32, #tpu.memory_space<vmem>> -> memref<64xf32, #tpu.memory_space<vmem>>
      %dma_wait3A_59 = arith.constant 0 : i32
      %dma_wait3A_60 = tpu.memref_slice %arg3[%dma_wait3A_46, %dma_wait3A_47, %dma_wait3A_59] : memref<125000x8x64xf32, #tpu.memory_space<hbm>> -> memref<1x1x64xf32, #tpu.memory_space<hbm>>
      %dma_wait3A_61 = tpu.memref_squeeze %dma_wait3A_60 : memref<1x1x64xf32, #tpu.memory_space<hbm>> -> memref<64xf32, #tpu.memory_space<hbm>>
      tpu.wait_dma2 semaphore(%arg13 : memref<!tpu.dma_semaphore, #tpu.memory_space<semaphore_mem>>) src(%dma_wait3A_61 : memref<64xf32, #tpu.memory_space<hbm>>) dst(%dma_wait3A_58 : memref<64xf32, #tpu.memory_space<vmem>>)
    }
    %scan3A_11 = arith.constant 24 : i32
    %mul3A_12 = arith.constant 32 : i32
    %mul3A_13 = arith.muli %add3A, %mul3A_12 : i32
    %add3A_14 = arith.constant 0 : i32
    %add3A_15 = arith.addi %mul3A_13, %add3A_14 : i32
    "tpu.region"() ({
      %run_scoped3A = tpu.sem_alloc : memref<!tpu.dma_semaphore, #tpu.memory_space<semaphore_mem>>
      %dma_start3A = arith.constant 0 : i32
      %dma_start3A_30 = arith.constant 0 : i32
      %dma_start3A_31 = tpu.memref_slice %arg6[%add3A_15, %dma_start3A, %dma_start3A_30] : memref<1024x8x64xf32, #tpu.memory_space<hbm>> -> memref<16x8x64xf32, #tpu.memory_space<hbm>>
      %dma_start3A_32 = arith.constant 0 : i32
      %dma_start3A_33 = arith.constant 0 : i32
      %dma_start3A_34 = tpu.memref_slice %arg6[%add3A_15, %dma_start3A_32, %dma_start3A_33] : memref<1024x8x64xf32, #tpu.memory_space<hbm>> -> memref<16x8x64xf32, #tpu.memory_space<hbm>>
      tpu.enqueue_dma source(%arg10 : memref<16x8x64xf32, #tpu.memory_space<vmem>>) target(%dma_start3A_34 : memref<16x8x64xf32, #tpu.memory_space<hbm>>) target_semaphore(%run_scoped3A : memref<!tpu.dma_semaphore, #tpu.memory_space<semaphore_mem>>)
      %dma_wait3A = arith.constant 0 : i32
      %dma_wait3A_35 = arith.constant 0 : i32
      %dma_wait3A_36 = tpu.memref_slice %arg6[%add3A_15, %dma_wait3A, %dma_wait3A_35] : memref<1024x8x64xf32, #tpu.memory_space<hbm>> -> memref<16x8x64xf32, #tpu.memory_space<hbm>>
      %dma_wait3A_37 = arith.constant 0 : i32
      %dma_wait3A_38 = arith.constant 0 : i32
      %dma_wait3A_39 = tpu.memref_slice %arg6[%add3A_15, %dma_wait3A_37, %dma_wait3A_38] : memref<1024x8x64xf32, #tpu.memory_space<hbm>> -> memref<16x8x64xf32, #tpu.memory_space<hbm>>
      tpu.wait_dma2 semaphore(%run_scoped3A : memref<!tpu.dma_semaphore, #tpu.memory_space<semaphore_mem>>) src(%arg10 : memref<16x8x64xf32, #tpu.memory_space<vmem>>) dst(%dma_wait3A_39 : memref<16x8x64xf32, #tpu.memory_space<hbm>>)
      tpu.yield
    }) : () -> ()
    "tpu.region"() ({
      %run_scoped3A = tpu.sem_alloc : memref<!tpu.dma_semaphore, #tpu.memory_space<semaphore_mem>>
      %dma_start3A = arith.constant 0 : i32
      %dma_start3A_30 = arith.constant 0 : i32
      %dma_start3A_31 = tpu.memref_slice %arg7[%add3A_15, %dma_start3A, %dma_start3A_30] : memref<1024x8x64xf32, #tpu.memory_space<hbm>> -> memref<16x8x64xf32, #tpu.memory_space<hbm>>
      %dma_start3A_32 = arith.constant 0 : i32
      %dma_start3A_33 = arith.constant 0 : i32
      %dma_start3A_34 = tpu.memref_slice %arg7[%add3A_15, %dma_start3A_32, %dma_start3A_33] : memref<1024x8x64xf32, #tpu.memory_space<hbm>> -> memref<16x8x64xf32, #tpu.memory_space<hbm>>
      tpu.enqueue_dma source(%arg11 : memref<16x8x64xf32, #tpu.memory_space<vmem>>) target(%dma_start3A_34 : memref<16x8x64xf32, #tpu.memory_space<hbm>>) target_semaphore(%run_scoped3A : memref<!tpu.dma_semaphore, #tpu.memory_space<semaphore_mem>>)
      %dma_wait3A = arith.constant 0 : i32
      %dma_wait3A_35 = arith.constant 0 : i32
      %dma_wait3A_36 = tpu.memref_slice %arg7[%add3A_15, %dma_wait3A, %dma_wait3A_35] : memref<1024x8x64xf32, #tpu.memory_space<hbm>> -> memref<16x8x64xf32, #tpu.memory_space<hbm>>
      %dma_wait3A_37 = arith.constant 0 : i32
      %dma_wait3A_38 = arith.constant 0 : i32
      %dma_wait3A_39 = tpu.memref_slice %arg7[%add3A_15, %dma_wait3A_37, %dma_wait3A_38] : memref<1024x8x64xf32, #tpu.memory_space<hbm>> -> memref<16x8x64xf32, #tpu.memory_space<hbm>>
      tpu.wait_dma2 semaphore(%run_scoped3A : memref<!tpu.dma_semaphore, #tpu.memory_space<semaphore_mem>>) src(%arg11 : memref<16x8x64xf32, #tpu.memory_space<vmem>>) dst(%dma_wait3A_39 : memref<16x8x64xf32, #tpu.memory_space<hbm>>)
      tpu.yield
    }) : () -> ()
    %scan3A_16 = arith.constant 0 : i32
    %scan3A_17 = arith.constant 128 : i32
    %scan3A_18 = arith.addi %scan3A_16, %scan3A_17 : i32
    %scan3A_19 = arith.constant 1 : i32
    scf.for %scan3A_30 = %scan3A_16 to %scan3A_18 step %scan3A_19  : i32 {
      %shift_right_arithmetic3A = arith.constant 4 : i32
      %shift_right_arithmetic3A_31 = arith.shrsi %scan3A_30, %shift_right_arithmetic3A : i32
      %shift_left3A = arith.constant 4 : i32
      %shift_left3A_32 = arith.shli %shift_right_arithmetic3A_31, %shift_left3A : i32
      %add3A_33 = arith.constant 128 : i32
      %add3A_34 = arith.addi %add3A_33, %shift_left3A_32 : i32
      %and3A = arith.constant 15 : i32
      %and3A_35 = arith.andi %scan3A_30, %and3A : i32
      %get3A = arith.index_cast %add3A_34 : i32 to index
      %get3A_36 = tpu.vector_load %arg8[%get3A] {strides = array<i32>} : memref<256xi32, #tpu.memory_space<vmem>>, vector<16xi32>,
      %get3A_37 = arith.index_cast %add3A_34 : i32 to index
      %get3A_38 = tpu.vector_load %arg9[%get3A_37] {strides = array<i32>} : memref<256xi32, #tpu.memory_space<vmem>>, vector<16xi32>,
      %eq3A = vector.broadcast %and3A_35 : i32 to vector<16xi32>
      %eq3A_39 = arith.cmpi eq, %iota3A, %eq3A : vector<16xi32>
      %jit3A = arith.constant 0 : i32
      %broadcast_in_dim3A = vector.broadcast %jit3A : i32 to vector<16xi32>
      %select_n3A = arith.select %eq3A_39, %get3A_36, %broadcast_in_dim3A : vector<16xi1>, vector<16xi32>
      %reduce_max3A = arith.constant true
      %reduce_max3A_40 = vector.broadcast %reduce_max3A : i1 to vector<16xi1>
      %reduce_max3A_41 = arith.constant -2147483648 : i32
      %reduce_max3A_42 = vector.broadcast %reduce_max3A_41 : i32 to vector<16xi32>
      %reduce_max3A_43 = arith.xori %select_n3A, %reduce_max3A_42 : vector<16xi32>
      %reduce_max3A_44 = tpu.scan <max>, %reduce_max3A_43 masked %reduce_max3A_40 : vector<16xi32>, vector<16xi1> -> vector<16xi32>
      %reduce_max3A_45 = arith.xori %reduce_max3A_44, %reduce_max3A_42 : vector<16xi32>
      %reduce_max3A_46 = vector.extract %reduce_max3A_45[15] : i32 from vector<16xi32>
      %eq3A_47 = vector.broadcast %and3A_35 : i32 to vector<16xi32>
      %eq3A_48 = arith.cmpi eq, %iota3A, %eq3A_47 : vector<16xi32>
      %jit3A_49 = arith.constant 0 : i32
      %broadcast_in_dim3A_50 = vector.broadcast %jit3A_49 : i32 to vector<16xi32>
      %select_n3A_51 = arith.select %eq3A_48, %get3A_38, %broadcast_in_dim3A_50 : vector<16xi1>, vector<16xi32>
      %reduce_max3A_52 = arith.constant true
      %reduce_max3A_53 = vector.broadcast %reduce_max3A_52 : i1 to vector<16xi1>
      %reduce_max3A_54 = arith.constant -2147483648 : i32
      %reduce_max3A_55 = vector.broadcast %reduce_max3A_54 : i32 to vector<16xi32>
      %reduce_max3A_56 = arith.xori %select_n3A_51, %reduce_max3A_55 : vector<16xi32>
      %reduce_max3A_57 = tpu.scan <max>, %reduce_max3A_56 masked %reduce_max3A_53 : vector<16xi32>, vector<16xi1> -> vector<16xi32>
      %reduce_max3A_58 = arith.xori %reduce_max3A_57, %reduce_max3A_55 : vector<16xi32>
      %reduce_max3A_59 = vector.extract %reduce_max3A_58[15] : i32 from vector<16xi32>
      %shift_right_arithmetic3A_60 = arith.constant 3 : i32
      %shift_right_arithmetic3A_61 = arith.shrsi %reduce_max3A_46, %shift_right_arithmetic3A_60 : i32
      %and3A_62 = arith.constant 7 : i32
      %and3A_63 = arith.andi %reduce_max3A_46, %and3A_62 : i32
      %shift_right_arithmetic3A_64 = arith.constant 3 : i32
      %shift_right_arithmetic3A_65 = arith.shrsi %scan3A_30, %shift_right_arithmetic3A_64 : i32
      %and3A_66 = arith.constant 7 : i32
      %and3A_67 = arith.andi %scan3A_30, %and3A_66 : i32
      %dma_start3A = arith.constant 0 : i32
      %dma_start3A_68 = tpu.memref_slice %arg10[%shift_right_arithmetic3A_65, %and3A_67, %dma_start3A] : memref<16x8x64xf32, #tpu.memory_space<vmem>> -> memref<1x1x64xf32, #tpu.memory_space<vmem>>
      %dma_start3A_69 = tpu.memref_squeeze %dma_start3A_68 : memref<1x1x64xf32, #tpu.memory_space<vmem>> -> memref<64xf32, #tpu.memory_space<vmem>>
      %dma_start3A_70 = arith.constant 0 : i32
      %dma_start3A_71 = tpu.memref_slice %arg2[%shift_right_arithmetic3A_61, %and3A_63, %dma_start3A_70] : memref<12500x8x64xf32, #tpu.memory_space<hbm>> -> memref<1x1x64xf32, #tpu.memory_space<hbm>>
      %dma_start3A_72 = tpu.memref_squeeze %dma_start3A_71 : memref<1x1x64xf32, #tpu.memory_space<hbm>> -> memref<64xf32, #tpu.memory_space<hbm>>
      %dma_start3A_73 = arith.constant 0 : i32
      %dma_start3A_74 = tpu.memref_slice %arg10[%shift_right_arithmetic3A_65, %and3A_67, %dma_start3A_73] : memref<16x8x64xf32, #tpu.memory_space<vmem>> -> memref<1x1x64xf32, #tpu.memory_space<vmem>>
      %dma_start3A_75 = tpu.memref_squeeze %dma_start3A_74 : memref<1x1x64xf32, #tpu.memory_space<vmem>> -> memref<64xf32, #tpu.memory_space<vmem>>
      %dma_start3A_76 = arith.constant 0 : i32
      %dma_start3A_77 = tpu.memref_slice %arg2[%shift_right_arithmetic3A_61, %and3A_63, %dma_start3A_76] : memref<12500x8x64xf32, #tpu.memory_space<hbm>> -> memref<1x1x64xf32, #tpu.memory_space<hbm>>
      %dma_start3A_78 = tpu.memref_squeeze %dma_start3A_77 : memref<1x1x64xf32, #tpu.memory_space<hbm>> -> memref<64xf32, #tpu.memory_space<hbm>>
      tpu.enqueue_dma source(%dma_start3A_78 : memref<64xf32, #tpu.memory_space<hbm>>) target(%dma_start3A_75 : memref<64xf32, #tpu.memory_space<vmem>>) target_semaphore(%arg12 : memref<!tpu.dma_semaphore, #tpu.memory_space<semaphore_mem>>)
      %shift_right_arithmetic3A_79 = arith.constant 3 : i32
      %shift_right_arithmetic3A_80 = arith.shrsi %reduce_max3A_59, %shift_right_arithmetic3A_79 : i32
      %and3A_81 = arith.constant 7 : i32
      %and3A_82 = arith.andi %reduce_max3A_59, %and3A_81 : i32
      %shift_right_arithmetic3A_83 = arith.constant 3 : i32
      %shift_right_arithmetic3A_84 = arith.shrsi %scan3A_30, %shift_right_arithmetic3A_83 : i32
      %and3A_85 = arith.constant 7 : i32
      %and3A_86 = arith.andi %scan3A_30, %and3A_85 : i32
      %dma_start3A_87 = arith.constant 0 : i32
      %dma_start3A_88 = tpu.memref_slice %arg11[%shift_right_arithmetic3A_84, %and3A_86, %dma_start3A_87] : memref<16x8x64xf32, #tpu.memory_space<vmem>> -> memref<1x1x64xf32, #tpu.memory_space<vmem>>
      %dma_start3A_89 = tpu.memref_squeeze %dma_start3A_88 : memref<1x1x64xf32, #tpu.memory_space<vmem>> -> memref<64xf32, #tpu.memory_space<vmem>>
      %dma_start3A_90 = arith.constant 0 : i32
      %dma_start3A_91 = tpu.memref_slice %arg3[%shift_right_arithmetic3A_80, %and3A_82, %dma_start3A_90] : memref<125000x8x64xf32, #tpu.memory_space<hbm>> -> memref<1x1x64xf32, #tpu.memory_space<hbm>>
      %dma_start3A_92 = tpu.memref_squeeze %dma_start3A_91 : memref<1x1x64xf32, #tpu.memory_space<hbm>> -> memref<64xf32, #tpu.memory_space<hbm>>
      %dma_start3A_93 = arith.constant 0 : i32
      %dma_start3A_94 = tpu.memref_slice %arg11[%shift_right_arithmetic3A_84, %and3A_86, %dma_start3A_93] : memref<16x8x64xf32, #tpu.memory_space<vmem>> -> memref<1x1x64xf32, #tpu.memory_space<vmem>>
      %dma_start3A_95 = tpu.memref_squeeze %dma_start3A_94 : memref<1x1x64xf32, #tpu.memory_space<vmem>> -> memref<64xf32, #tpu.memory_space<vmem>>
      %dma_start3A_96 = arith.constant 0 : i32
      %dma_start3A_97 = tpu.memref_slice %arg3[%shift_right_arithmetic3A_80, %and3A_82, %dma_start3A_96] : memref<125000x8x64xf32, #tpu.memory_space<hbm>> -> memref<1x1x64xf32, #tpu.memory_space<hbm>>
      %dma_start3A_98 = tpu.memref_squeeze %dma_start3A_97 : memref<1x1x64xf32, #tpu.memory_space<hbm>> -> memref<64xf32, #tpu.memory_space<hbm>>
      tpu.enqueue_dma source(%dma_start3A_98 : memref<64xf32, #tpu.memory_space<hbm>>) target(%dma_start3A_95 : memref<64xf32, #tpu.memory_space<vmem>>) target_semaphore(%arg13 : memref<!tpu.dma_semaphore, #tpu.memory_space<semaphore_mem>>)
      %ge3A = arith.constant 24 : i32
      %ge3A_99 = arith.cmpi sge, %scan3A_30, %ge3A : i32
      %convert_element_type3A = arith.extui %ge3A_99 : i1 to i32
      %cond3A = arith.constant 0 : i32
      %cond3A_100 = arith.cmpi ne, %convert_element_type3A, %cond3A : i32
      scf.if %cond3A_100 {
        %dma_wait3A = arith.constant 0 : i32
        %dma_wait3A_101 = arith.constant 0 : i32
        %dma_wait3A_102 = arith.constant 0 : i32
        %dma_wait3A_103 = arith.constant 0 : i32
        %dma_wait3A_104 = arith.constant 0 : i32
        %dma_wait3A_105 = tpu.memref_slice %arg10[%dma_wait3A_102, %dma_wait3A_103, %dma_wait3A_104] : memref<16x8x64xf32, #tpu.memory_space<vmem>> -> memref<1x1x64xf32, #tpu.memory_space<vmem>>
        %dma_wait3A_106 = tpu.memref_squeeze %dma_wait3A_105 : memref<1x1x64xf32, #tpu.memory_space<vmem>> -> memref<64xf32, #tpu.memory_space<vmem>>
        %dma_wait3A_107 = arith.constant 0 : i32
        %dma_wait3A_108 = tpu.memref_slice %arg2[%dma_wait3A, %dma_wait3A_101, %dma_wait3A_107] : memref<12500x8x64xf32, #tpu.memory_space<hbm>> -> memref<1x1x64xf32, #tpu.memory_space<hbm>>
        %dma_wait3A_109 = tpu.memref_squeeze %dma_wait3A_108 : memref<1x1x64xf32, #tpu.memory_space<hbm>> -> memref<64xf32, #tpu.memory_space<hbm>>
        %dma_wait3A_110 = arith.constant 0 : i32
        %dma_wait3A_111 = tpu.memref_slice %arg10[%dma_wait3A_102, %dma_wait3A_103, %dma_wait3A_110] : memref<16x8x64xf32, #tpu.memory_space<vmem>> -> memref<1x1x64xf32, #tpu.memory_space<vmem>>
        %dma_wait3A_112 = tpu.memref_squeeze %dma_wait3A_111 : memref<1x1x64xf32, #tpu.memory_space<vmem>> -> memref<64xf32, #tpu.memory_space<vmem>>
        %dma_wait3A_113 = arith.constant 0 : i32
        %dma_wait3A_114 = tpu.memref_slice %arg2[%dma_wait3A, %dma_wait3A_101, %dma_wait3A_113] : memref<12500x8x64xf32, #tpu.memory_space<hbm>> -> memref<1x1x64xf32, #tpu.memory_space<hbm>>
        %dma_wait3A_115 = tpu.memref_squeeze %dma_wait3A_114 : memref<1x1x64xf32, #tpu.memory_space<hbm>> -> memref<64xf32, #tpu.memory_space<hbm>>
        tpu.wait_dma2 semaphore(%arg12 : memref<!tpu.dma_semaphore, #tpu.memory_space<semaphore_mem>>) src(%dma_wait3A_115 : memref<64xf32, #tpu.memory_space<hbm>>) dst(%dma_wait3A_112 : memref<64xf32, #tpu.memory_space<vmem>>)
        %dma_wait3A_116 = arith.constant 0 : i32
        %dma_wait3A_117 = arith.constant 0 : i32
        %dma_wait3A_118 = arith.constant 0 : i32
        %dma_wait3A_119 = arith.constant 0 : i32
        %dma_wait3A_120 = arith.constant 0 : i32
        %dma_wait3A_121 = tpu.memref_slice %arg11[%dma_wait3A_118, %dma_wait3A_119, %dma_wait3A_120] : memref<16x8x64xf32, #tpu.memory_space<vmem>> -> memref<1x1x64xf32, #tpu.memory_space<vmem>>
        %dma_wait3A_122 = tpu.memref_squeeze %dma_wait3A_121 : memref<1x1x64xf32, #tpu.memory_space<vmem>> -> memref<64xf32, #tpu.memory_space<vmem>>
        %dma_wait3A_123 = arith.constant 0 : i32
        %dma_wait3A_124 = tpu.memref_slice %arg3[%dma_wait3A_116, %dma_wait3A_117, %dma_wait3A_123] : memref<125000x8x64xf32, #tpu.memory_space<hbm>> -> memref<1x1x64xf32, #tpu.memory_space<hbm>>
        %dma_wait3A_125 = tpu.memref_squeeze %dma_wait3A_124 : memref<1x1x64xf32, #tpu.memory_space<hbm>> -> memref<64xf32, #tpu.memory_space<hbm>>
        %dma_wait3A_126 = arith.constant 0 : i32
        %dma_wait3A_127 = tpu.memref_slice %arg11[%dma_wait3A_118, %dma_wait3A_119, %dma_wait3A_126] : memref<16x8x64xf32, #tpu.memory_space<vmem>> -> memref<1x1x64xf32, #tpu.memory_space<vmem>>
        %dma_wait3A_128 = tpu.memref_squeeze %dma_wait3A_127 : memref<1x1x64xf32, #tpu.memory_space<vmem>> -> memref<64xf32, #tpu.memory_space<vmem>>
        %dma_wait3A_129 = arith.constant 0 : i32
        %dma_wait3A_130 = tpu.memref_slice %arg3[%dma_wait3A_116, %dma_wait3A_117, %dma_wait3A_129] : memref<125000x8x64xf32, #tpu.memory_space<hbm>> -> memref<1x1x64xf32, #tpu.memory_space<hbm>>
        %dma_wait3A_131 = tpu.memref_squeeze %dma_wait3A_130 : memref<1x1x64xf32, #tpu.memory_space<hbm>> -> memref<64xf32, #tpu.memory_space<hbm>>
        tpu.wait_dma2 semaphore(%arg13 : memref<!tpu.dma_semaphore, #tpu.memory_space<semaphore_mem>>) src(%dma_wait3A_131 : memref<64xf32, #tpu.memory_space<hbm>>) dst(%dma_wait3A_128 : memref<64xf32, #tpu.memory_space<vmem>>)
      } else {
      }
    }
    %scan3A_20 = arith.constant 128 : i32
    %scan3A_21 = arith.constant 0 : i32
    %scan3A_22 = arith.constant 24 : i32
    %scan3A_23 = arith.addi %scan3A_21, %scan3A_22 : i32
    %scan3A_24 = arith.constant 1 : i32
    scf.for %scan3A_30 = %scan3A_21 to %scan3A_23 step %scan3A_24  : i32 {
      %dma_wait3A = arith.constant 0 : i32
      %dma_wait3A_31 = arith.constant 0 : i32
      %dma_wait3A_32 = arith.constant 0 : i32
      %dma_wait3A_33 = arith.constant 0 : i32
      %dma_wait3A_34 = arith.constant 0 : i32
      %dma_wait3A_35 = tpu.memref_slice %arg10[%dma_wait3A_32, %dma_wait3A_33, %dma_wait3A_34] : memref<16x8x64xf32, #tpu.memory_space<vmem>> -> memref<1x1x64xf32, #tpu.memory_space<vmem>>
      %dma_wait3A_36 = tpu.memref_squeeze %dma_wait3A_35 : memref<1x1x64xf32, #tpu.memory_space<vmem>> -> memref<64xf32, #tpu.memory_space<vmem>>
      %dma_wait3A_37 = arith.constant 0 : i32
      %dma_wait3A_38 = tpu.memref_slice %arg2[%dma_wait3A, %dma_wait3A_31, %dma_wait3A_37] : memref<12500x8x64xf32, #tpu.memory_space<hbm>> -> memref<1x1x64xf32, #tpu.memory_space<hbm>>
      %dma_wait3A_39 = tpu.memref_squeeze %dma_wait3A_38 : memref<1x1x64xf32, #tpu.memory_space<hbm>> -> memref<64xf32, #tpu.memory_space<hbm>>
      %dma_wait3A_40 = arith.constant 0 : i32
      %dma_wait3A_41 = tpu.memref_slice %arg10[%dma_wait3A_32, %dma_wait3A_33, %dma_wait3A_40] : memref<16x8x64xf32, #tpu.memory_space<vmem>> -> memref<1x1x64xf32, #tpu.memory_space<vmem>>
      %dma_wait3A_42 = tpu.memref_squeeze %dma_wait3A_41 : memref<1x1x64xf32, #tpu.memory_space<vmem>> -> memref<64xf32, #tpu.memory_space<vmem>>
      %dma_wait3A_43 = arith.constant 0 : i32
      %dma_wait3A_44 = tpu.memref_slice %arg2[%dma_wait3A, %dma_wait3A_31, %dma_wait3A_43] : memref<12500x8x64xf32, #tpu.memory_space<hbm>> -> memref<1x1x64xf32, #tpu.memory_space<hbm>>
      %dma_wait3A_45 = tpu.memref_squeeze %dma_wait3A_44 : memref<1x1x64xf32, #tpu.memory_space<hbm>> -> memref<64xf32, #tpu.memory_space<hbm>>
      tpu.wait_dma2 semaphore(%arg12 : memref<!tpu.dma_semaphore, #tpu.memory_space<semaphore_mem>>) src(%dma_wait3A_45 : memref<64xf32, #tpu.memory_space<hbm>>) dst(%dma_wait3A_42 : memref<64xf32, #tpu.memory_space<vmem>>)
      %dma_wait3A_46 = arith.constant 0 : i32
      %dma_wait3A_47 = arith.constant 0 : i32
      %dma_wait3A_48 = arith.constant 0 : i32
      %dma_wait3A_49 = arith.constant 0 : i32
      %dma_wait3A_50 = arith.constant 0 : i32
      %dma_wait3A_51 = tpu.memref_slice %arg11[%dma_wait3A_48, %dma_wait3A_49, %dma_wait3A_50] : memref<16x8x64xf32, #tpu.memory_space<vmem>> -> memref<1x1x64xf32, #tpu.memory_space<vmem>>
      %dma_wait3A_52 = tpu.memref_squeeze %dma_wait3A_51 : memref<1x1x64xf32, #tpu.memory_space<vmem>> -> memref<64xf32, #tpu.memory_space<vmem>>
      %dma_wait3A_53 = arith.constant 0 : i32
      %dma_wait3A_54 = tpu.memref_slice %arg3[%dma_wait3A_46, %dma_wait3A_47, %dma_wait3A_53] : memref<125000x8x64xf32, #tpu.memory_space<hbm>> -> memref<1x1x64xf32, #tpu.memory_space<hbm>>
      %dma_wait3A_55 = tpu.memref_squeeze %dma_wait3A_54 : memref<1x1x64xf32, #tpu.memory_space<hbm>> -> memref<64xf32, #tpu.memory_space<hbm>>
      %dma_wait3A_56 = arith.constant 0 : i32
      %dma_wait3A_57 = tpu.memref_slice %arg11[%dma_wait3A_48, %dma_wait3A_49, %dma_wait3A_56] : memref<16x8x64xf32, #tpu.memory_space<vmem>> -> memref<1x1x64xf32, #tpu.memory_space<vmem>>
      %dma_wait3A_58 = tpu.memref_squeeze %dma_wait3A_57 : memref<1x1x64xf32, #tpu.memory_space<vmem>> -> memref<64xf32, #tpu.memory_space<vmem>>
      %dma_wait3A_59 = arith.constant 0 : i32
      %dma_wait3A_60 = tpu.memref_slice %arg3[%dma_wait3A_46, %dma_wait3A_47, %dma_wait3A_59] : memref<125000x8x64xf32, #tpu.memory_space<hbm>> -> memref<1x1x64xf32, #tpu.memory_space<hbm>>
      %dma_wait3A_61 = tpu.memref_squeeze %dma_wait3A_60 : memref<1x1x64xf32, #tpu.memory_space<hbm>> -> memref<64xf32, #tpu.memory_space<hbm>>
      tpu.wait_dma2 semaphore(%arg13 : memref<!tpu.dma_semaphore, #tpu.memory_space<semaphore_mem>>) src(%dma_wait3A_61 : memref<64xf32, #tpu.memory_space<hbm>>) dst(%dma_wait3A_58 : memref<64xf32, #tpu.memory_space<vmem>>)
    }
    %scan3A_25 = arith.constant 24 : i32
    %mul3A_26 = arith.constant 32 : i32
    %mul3A_27 = arith.muli %add3A, %mul3A_26 : i32
    %add3A_28 = arith.constant 16 : i32
    %add3A_29 = arith.addi %mul3A_27, %add3A_28 : i32
    "tpu.region"() ({
      %run_scoped3A = tpu.sem_alloc : memref<!tpu.dma_semaphore, #tpu.memory_space<semaphore_mem>>
      %dma_start3A = arith.constant 0 : i32
      %dma_start3A_30 = arith.constant 0 : i32
      %dma_start3A_31 = tpu.memref_slice %arg6[%add3A_29, %dma_start3A, %dma_start3A_30] : memref<1024x8x64xf32, #tpu.memory_space<hbm>> -> memref<16x8x64xf32, #tpu.memory_space<hbm>>
      %dma_start3A_32 = arith.constant 0 : i32
      %dma_start3A_33 = arith.constant 0 : i32
      %dma_start3A_34 = tpu.memref_slice %arg6[%add3A_29, %dma_start3A_32, %dma_start3A_33] : memref<1024x8x64xf32, #tpu.memory_space<hbm>> -> memref<16x8x64xf32, #tpu.memory_space<hbm>>
      tpu.enqueue_dma source(%arg10 : memref<16x8x64xf32, #tpu.memory_space<vmem>>) target(%dma_start3A_34 : memref<16x8x64xf32, #tpu.memory_space<hbm>>) target_semaphore(%run_scoped3A : memref<!tpu.dma_semaphore, #tpu.memory_space<semaphore_mem>>)
      %dma_wait3A = arith.constant 0 : i32
      %dma_wait3A_35 = arith.constant 0 : i32
      %dma_wait3A_36 = tpu.memref_slice %arg6[%add3A_29, %dma_wait3A, %dma_wait3A_35] : memref<1024x8x64xf32, #tpu.memory_space<hbm>> -> memref<16x8x64xf32, #tpu.memory_space<hbm>>
      %dma_wait3A_37 = arith.constant 0 : i32
      %dma_wait3A_38 = arith.constant 0 : i32
      %dma_wait3A_39 = tpu.memref_slice %arg6[%add3A_29, %dma_wait3A_37, %dma_wait3A_38] : memref<1024x8x64xf32, #tpu.memory_space<hbm>> -> memref<16x8x64xf32, #tpu.memory_space<hbm>>
      tpu.wait_dma2 semaphore(%run_scoped3A : memref<!tpu.dma_semaphore, #tpu.memory_space<semaphore_mem>>) src(%arg10 : memref<16x8x64xf32, #tpu.memory_space<vmem>>) dst(%dma_wait3A_39 : memref<16x8x64xf32, #tpu.memory_space<hbm>>)
      tpu.yield
    }) : () -> ()
    "tpu.region"() ({
      %run_scoped3A = tpu.sem_alloc : memref<!tpu.dma_semaphore, #tpu.memory_space<semaphore_mem>>
      %dma_start3A = arith.constant 0 : i32
      %dma_start3A_30 = arith.constant 0 : i32
      %dma_start3A_31 = tpu.memref_slice %arg7[%add3A_29, %dma_start3A, %dma_start3A_30] : memref<1024x8x64xf32, #tpu.memory_space<hbm>> -> memref<16x8x64xf32, #tpu.memory_space<hbm>>
      %dma_start3A_32 = arith.constant 0 : i32
      %dma_start3A_33 = arith.constant 0 : i32
      %dma_start3A_34 = tpu.memref_slice %arg7[%add3A_29, %dma_start3A_32, %dma_start3A_33] : memref<1024x8x64xf32, #tpu.memory_space<hbm>> -> memref<16x8x64xf32, #tpu.memory_space<hbm>>
      tpu.enqueue_dma source(%arg11 : memref<16x8x64xf32, #tpu.memory_space<vmem>>) target(%dma_start3A_34 : memref<16x8x64xf32, #tpu.memory_space<hbm>>) target_semaphore(%run_scoped3A : memref<!tpu.dma_semaphore, #tpu.memory_space<semaphore_mem>>)
      %dma_wait3A = arith.constant 0 : i32
      %dma_wait3A_35 = arith.constant 0 : i32
      %dma_wait3A_36 = tpu.memref_slice %arg7[%add3A_29, %dma_wait3A, %dma_wait3A_35] : memref<1024x8x64xf32, #tpu.memory_space<hbm>> -> memref<16x8x64xf32, #tpu.memory_space<hbm>>
      %dma_wait3A_37 = arith.constant 0 : i32
      %dma_wait3A_38 = arith.constant 0 : i32
      %dma_wait3A_39 = tpu.memref_slice %arg7[%add3A_29, %dma_wait3A_37, %dma_wait3A_38] : memref<1024x8x64xf32, #tpu.memory_space<hbm>> -> memref<16x8x64xf32, #tpu.memory_space<hbm>>
      tpu.wait_dma2 semaphore(%run_scoped3A : memref<!tpu.dma_semaphore, #tpu.memory_space<semaphore_mem>>) src(%arg11 : memref<16x8x64xf32, #tpu.memory_space<vmem>>) dst(%dma_wait3A_39 : memref<16x8x64xf32, #tpu.memory_space<hbm>>)
      tpu.yield
    }) : () -> ()
    return
  }
}

#map = affine_map<(d0, d1) -> (0, 0, 0)>
#map1 = affine_map<(d0, d1) -> (0)>
module attributes {stable_mosaic.version = 14 : i64} {
  func.func @k(%arg0: i32, %arg1: i32, %arg2: memref<12500x8x64xf32, #tpu.memory_space<hbm>>, %arg3: memref<125000x8x64xf32, #tpu.memory_space<hbm>>, %arg4: memref<8192xi32, #tpu.memory_space<hbm>>, %arg5: memref<8192xi32, #tpu.memory_space<hbm>>, %arg6: memref<1024x8x64xf32, #tpu.memory_space<hbm>>, %arg7: memref<1024x8x64xf32, #tpu.memory_space<hbm>>, %arg8: memref<256xi32, #tpu.memory_space<vmem>>, %arg9: memref<256xi32, #tpu.memory_space<vmem>>, %arg10: memref<16x8x64xf32, #tpu.memory_space<vmem>>, %arg11: memref<16x8x64xf32, #tpu.memory_space<vmem>>, %arg12: memref<!tpu.dma_semaphore, #tpu.memory_space<semaphore_mem>>, %arg13: memref<!tpu.dma_semaphore, #tpu.memory_space<semaphore_mem>>) attributes {dimension_semantics = [#tpu.dimension_semantics<core_parallel>, #tpu.dimension_semantics<subcore_parallel>], iteration_bounds = array<i64: 2, 16>, scalar_prefetch = 0 : i64, scratch_operands = 6 : i64, tpu.core_type = #tpu.core_type<sc_vector_subcore>, window_params = [{transform_indices = #map}, {transform_indices = #map}, {transform_indices = #map1}, {transform_indices = #map1}, {transform_indices = #map}, {transform_indices = #map}]} {
    %mul3A = arith.constant 2 : i32
    %mul3A_0 = arith.muli %arg1, %mul3A : i32
    %add3A = arith.addi %mul3A_0, %arg0 : i32
    %mul3A_1 = arith.constant 256 : i32
    %mul3A_2 = arith.muli %add3A, %mul3A_1 : i32
    "tpu.region"() ({
      %run_scoped3A = tpu.sem_alloc : memref<!tpu.dma_semaphore, #tpu.memory_space<semaphore_mem>>
      %dma_start3A = tpu.memref_slice %arg4[%mul3A_2] : memref<8192xi32, #tpu.memory_space<hbm>> -> memref<256xi32, #tpu.memory_space<hbm>>
      %dma_start3A_30 = tpu.memref_slice %arg4[%mul3A_2] : memref<8192xi32, #tpu.memory_space<hbm>> -> memref<256xi32, #tpu.memory_space<hbm>>
      tpu.enqueue_dma source(%dma_start3A_30 : memref<256xi32, #tpu.memory_space<hbm>>) target(%arg8 : memref<256xi32, #tpu.memory_space<vmem>>) target_semaphore(%run_scoped3A : memref<!tpu.dma_semaphore, #tpu.memory_space<semaphore_mem>>)
      %dma_wait3A = tpu.memref_slice %arg4[%mul3A_2] : memref<8192xi32, #tpu.memory_space<hbm>> -> memref<256xi32, #tpu.memory_space<hbm>>
      %dma_wait3A_31 = tpu.memref_slice %arg4[%mul3A_2] : memref<8192xi32, #tpu.memory_space<hbm>> -> memref<256xi32, #tpu.memory_space<hbm>>
      tpu.wait_dma2 semaphore(%run_scoped3A : memref<!tpu.dma_semaphore, #tpu.memory_space<semaphore_mem>>) src(%dma_wait3A_31 : memref<256xi32, #tpu.memory_space<hbm>>) dst(%arg8 : memref<256xi32, #tpu.memory_space<vmem>>)
      tpu.yield
    }) : () -> ()
    "tpu.region"() ({
      %run_scoped3A = tpu.sem_alloc : memref<!tpu.dma_semaphore, #tpu.memory_space<semaphore_mem>>
      %dma_start3A = tpu.memref_slice %arg5[%mul3A_2] : memref<8192xi32, #tpu.memory_space<hbm>> -> memref<256xi32, #tpu.memory_space<hbm>>
      %dma_start3A_30 = tpu.memref_slice %arg5[%mul3A_2] : memref<8192xi32, #tpu.memory_space<hbm>> -> memref<256xi32, #tpu.memory_space<hbm>>
      tpu.enqueue_dma source(%dma_start3A_30 : memref<256xi32, #tpu.memory_space<hbm>>) target(%arg9 : memref<256xi32, #tpu.memory_space<vmem>>) target_semaphore(%run_scoped3A : memref<!tpu.dma_semaphore, #tpu.memory_space<semaphore_mem>>)
      %dma_wait3A = tpu.memref_slice %arg5[%mul3A_2] : memref<8192xi32, #tpu.memory_space<hbm>> -> memref<256xi32, #tpu.memory_space<hbm>>
      %dma_wait3A_31 = tpu.memref_slice %arg5[%mul3A_2] : memref<8192xi32, #tpu.memory_space<hbm>> -> memref<256xi32, #tpu.memory_space<hbm>>
      tpu.wait_dma2 semaphore(%run_scoped3A : memref<!tpu.dma_semaphore, #tpu.memory_space<semaphore_mem>>) src(%dma_wait3A_31 : memref<256xi32, #tpu.memory_space<hbm>>) dst(%arg9 : memref<256xi32, #tpu.memory_space<vmem>>)
      tpu.yield
    }) : () -> ()
    %iota3A = tpu.iota {dimensions = array<i32: 0>} : vector<16xi32>
    %scan3A = arith.constant 0 : i32
    %scan3A_3 = arith.constant 128 : i32
    %scan3A_4 = arith.addi %scan3A, %scan3A_3 : i32
    %scan3A_5 = arith.constant 1 : i32
    scf.for %scan3A_30 = %scan3A to %scan3A_4 step %scan3A_5  : i32 {
      %shift_right_arithmetic3A = arith.constant 4 : i32
      %shift_right_arithmetic3A_31 = arith.shrsi %scan3A_30, %shift_right_arithmetic3A : i32
      %shift_left3A = arith.constant 4 : i32
      %shift_left3A_32 = arith.shli %shift_right_arithmetic3A_31, %shift_left3A : i32
      %add3A_33 = arith.constant 0 : i32
      %add3A_34 = arith.addi %add3A_33, %shift_left3A_32 : i32
      %and3A = arith.constant 15 : i32
      %and3A_35 = arith.andi %scan3A_30, %and3A : i32
      %get3A = arith.index_cast %add3A_34 : i32 to index
      %get3A_36 = tpu.vector_load %arg8[%get3A] {strides = array<i32>} : memref<256xi32, #tpu.memory_space<vmem>>, vector<16xi32>,
      %get3A_37 = arith.index_cast %add3A_34 : i32 to index
      %get3A_38 = tpu.vector_load %arg9[%get3A_37] {strides = array<i32>} : memref<256xi32, #tpu.memory_space<vmem>>, vector<16xi32>,
      %eq3A = vector.broadcast %and3A_35 : i32 to vector<16xi32>
      %eq3A_39 = arith.cmpi eq, %iota3A, %eq3A : vector<16xi32>
      %jit3A = arith.constant 0 : i32
      %broadcast_in_dim3A = vector.broadcast %jit3A : i32 to vector<16xi32>
      %select_n3A = arith.select %eq3A_39, %get3A_36, %broadcast_in_dim3A : vector<16xi1>, vector<16xi32>
      %reduce_max3A = arith.constant true
      %reduce_max3A_40 = vector.broadcast %reduce_max3A : i1 to vector<16xi1>
      %reduce_max3A_41 = arith.constant -2147483648 : i32
      %reduce_max3A_42 = vector.broadcast %reduce_max3A_41 : i32 to vector<16xi32>
      %reduce_max3A_43 = arith.xori %select_n3A, %reduce_max3A_42 : vector<16xi32>
      %reduce_max3A_44 = tpu.scan <max>, %reduce_max3A_43 masked %reduce_max3A_40 : vector<16xi32>, vector<16xi1> -> vector<16xi32>
      %reduce_max3A_45 = arith.xori %reduce_max3A_44, %reduce_max3A_42 : vector<16xi32>
      %reduce_max3A_46 = vector.extract %reduce_max3A_45[15] : i32 from vector<16xi32>
      %eq3A_47 = vector.broadcast %and3A_35 : i32 to vector<16xi32>
      %eq3A_48 = arith.cmpi eq, %iota3A, %eq3A_47 : vector<16xi32>
      %jit3A_49 = arith.constant 0 : i32
      %broadcast_in_dim3A_50 = vector.broadcast %jit3A_49 : i32 to vector<16xi32>
      %select_n3A_51 = arith.select %eq3A_48, %get3A_38, %broadcast_in_dim3A_50 : vector<16xi1>, vector<16xi32>
      %reduce_max3A_52 = arith.constant true
      %reduce_max3A_53 = vector.broadcast %reduce_max3A_52 : i1 to vector<16xi1>
      %reduce_max3A_54 = arith.constant -2147483648 : i32
      %reduce_max3A_55 = vector.broadcast %reduce_max3A_54 : i32 to vector<16xi32>
      %reduce_max3A_56 = arith.xori %select_n3A_51, %reduce_max3A_55 : vector<16xi32>
      %reduce_max3A_57 = tpu.scan <max>, %reduce_max3A_56 masked %reduce_max3A_53 : vector<16xi32>, vector<16xi1> -> vector<16xi32>
      %reduce_max3A_58 = arith.xori %reduce_max3A_57, %reduce_max3A_55 : vector<16xi32>
      %reduce_max3A_59 = vector.extract %reduce_max3A_58[15] : i32 from vector<16xi32>
      %shift_right_arithmetic3A_60 = arith.constant 3 : i32
      %shift_right_arithmetic3A_61 = arith.shrsi %reduce_max3A_46, %shift_right_arithmetic3A_60 : i32
      %and3A_62 = arith.constant 7 : i32
      %and3A_63 = arith.andi %reduce_max3A_46, %and3A_62 : i32
      %shift_right_arithmetic3A_64 = arith.constant 3 : i32
      %shift_right_arithmetic3A_65 = arith.shrsi %scan3A_30, %shift_right_arithmetic3A_64 : i32
      %and3A_66 = arith.constant 7 : i32
      %and3A_67 = arith.andi %scan3A_30, %and3A_66 : i32
      %dma_start3A = arith.constant 0 : i32
      %dma_start3A_68 = tpu.memref_slice %arg10[%shift_right_arithmetic3A_65, %and3A_67, %dma_start3A] : memref<16x8x64xf32, #tpu.memory_space<vmem>> -> memref<1x1x64xf32, #tpu.memory_space<vmem>>
      %dma_start3A_69 = tpu.memref_squeeze %dma_start3A_68 : memref<1x1x64xf32, #tpu.memory_space<vmem>> -> memref<64xf32, #tpu.memory_space<vmem>>
      %dma_start3A_70 = arith.constant 0 : i32
      %dma_start3A_71 = tpu.memref_slice %arg2[%shift_right_arithmetic3A_61, %and3A_63, %dma_start3A_70] : memref<12500x8x64xf32, #tpu.memory_space<hbm>> -> memref<1x1x64xf32, #tpu.memory_space<hbm>>
      %dma_start3A_72 = tpu.memref_squeeze %dma_start3A_71 : memref<1x1x64xf32, #tpu.memory_space<hbm>> -> memref<64xf32, #tpu.memory_space<hbm>>
      %dma_start3A_73 = arith.constant 0 : i32
      %dma_start3A_74 = tpu.memref_slice %arg10[%shift_right_arithmetic3A_65, %and3A_67, %dma_start3A_73] : memref<16x8x64xf32, #tpu.memory_space<vmem>> -> memref<1x1x64xf32, #tpu.memory_space<vmem>>
      %dma_start3A_75 = tpu.memref_squeeze %dma_start3A_74 : memref<1x1x64xf32, #tpu.memory_space<vmem>> -> memref<64xf32, #tpu.memory_space<vmem>>
      %dma_start3A_76 = arith.constant 0 : i32
      %dma_start3A_77 = tpu.memref_slice %arg2[%shift_right_arithmetic3A_61, %and3A_63, %dma_start3A_76] : memref<12500x8x64xf32, #tpu.memory_space<hbm>> -> memref<1x1x64xf32, #tpu.memory_space<hbm>>
      %dma_start3A_78 = tpu.memref_squeeze %dma_start3A_77 : memref<1x1x64xf32, #tpu.memory_space<hbm>> -> memref<64xf32, #tpu.memory_space<hbm>>
      tpu.enqueue_dma source(%dma_start3A_78 : memref<64xf32, #tpu.memory_space<hbm>>) target(%dma_start3A_75 : memref<64xf32, #tpu.memory_space<vmem>>) target_semaphore(%arg12 : memref<!tpu.dma_semaphore, #tpu.memory_space<semaphore_mem>>)
      %shift_right_arithmetic3A_79 = arith.constant 3 : i32
      %shift_right_arithmetic3A_80 = arith.shrsi %reduce_max3A_59, %shift_right_arithmetic3A_79 : i32
      %and3A_81 = arith.constant 7 : i32
      %and3A_82 = arith.andi %reduce_max3A_59, %and3A_81 : i32
      %shift_right_arithmetic3A_83 = arith.constant 3 : i32
      %shift_right_arithmetic3A_84 = arith.shrsi %scan3A_30, %shift_right_arithmetic3A_83 : i32
      %and3A_85 = arith.constant 7 : i32
      %and3A_86 = arith.andi %scan3A_30, %and3A_85 : i32
      %dma_start3A_87 = arith.constant 0 : i32
      %dma_start3A_88 = tpu.memref_slice %arg11[%shift_right_arithmetic3A_84, %and3A_86, %dma_start3A_87] : memref<16x8x64xf32, #tpu.memory_space<vmem>> -> memref<1x1x64xf32, #tpu.memory_space<vmem>>
      %dma_start3A_89 = tpu.memref_squeeze %dma_start3A_88 : memref<1x1x64xf32, #tpu.memory_space<vmem>> -> memref<64xf32, #tpu.memory_space<vmem>>
      %dma_start3A_90 = arith.constant 0 : i32
      %dma_start3A_91 = tpu.memref_slice %arg3[%shift_right_arithmetic3A_80, %and3A_82, %dma_start3A_90] : memref<125000x8x64xf32, #tpu.memory_space<hbm>> -> memref<1x1x64xf32, #tpu.memory_space<hbm>>
      %dma_start3A_92 = tpu.memref_squeeze %dma_start3A_91 : memref<1x1x64xf32, #tpu.memory_space<hbm>> -> memref<64xf32, #tpu.memory_space<hbm>>
      %dma_start3A_93 = arith.constant 0 : i32
      %dma_start3A_94 = tpu.memref_slice %arg11[%shift_right_arithmetic3A_84, %and3A_86, %dma_start3A_93] : memref<16x8x64xf32, #tpu.memory_space<vmem>> -> memref<1x1x64xf32, #tpu.memory_space<vmem>>
      %dma_start3A_95 = tpu.memref_squeeze %dma_start3A_94 : memref<1x1x64xf32, #tpu.memory_space<vmem>> -> memref<64xf32, #tpu.memory_space<vmem>>
      %dma_start3A_96 = arith.constant 0 : i32
      %dma_start3A_97 = tpu.memref_slice %arg3[%shift_right_arithmetic3A_80, %and3A_82, %dma_start3A_96] : memref<125000x8x64xf32, #tpu.memory_space<hbm>> -> memref<1x1x64xf32, #tpu.memory_space<hbm>>
      %dma_start3A_98 = tpu.memref_squeeze %dma_start3A_97 : memref<1x1x64xf32, #tpu.memory_space<hbm>> -> memref<64xf32, #tpu.memory_space<hbm>>
      tpu.enqueue_dma source(%dma_start3A_98 : memref<64xf32, #tpu.memory_space<hbm>>) target(%dma_start3A_95 : memref<64xf32, #tpu.memory_space<vmem>>) target_semaphore(%arg13 : memref<!tpu.dma_semaphore, #tpu.memory_space<semaphore_mem>>)
      %ge3A = arith.constant 24 : i32
      %ge3A_99 = arith.cmpi sge, %scan3A_30, %ge3A : i32
      %convert_element_type3A = arith.extui %ge3A_99 : i1 to i32
      %cond3A = arith.constant 0 : i32
      %cond3A_100 = arith.cmpi ne, %convert_element_type3A, %cond3A : i32
      scf.if %cond3A_100 {
        %dma_wait3A = arith.constant 0 : i32
        %dma_wait3A_101 = arith.constant 0 : i32
        %dma_wait3A_102 = arith.constant 0 : i32
        %dma_wait3A_103 = arith.constant 0 : i32
        %dma_wait3A_104 = arith.constant 0 : i32
        %dma_wait3A_105 = tpu.memref_slice %arg10[%dma_wait3A_102, %dma_wait3A_103, %dma_wait3A_104] : memref<16x8x64xf32, #tpu.memory_space<vmem>> -> memref<1x1x64xf32, #tpu.memory_space<vmem>>
        %dma_wait3A_106 = tpu.memref_squeeze %dma_wait3A_105 : memref<1x1x64xf32, #tpu.memory_space<vmem>> -> memref<64xf32, #tpu.memory_space<vmem>>
        %dma_wait3A_107 = arith.constant 0 : i32
        %dma_wait3A_108 = tpu.memref_slice %arg2[%dma_wait3A, %dma_wait3A_101, %dma_wait3A_107] : memref<12500x8x64xf32, #tpu.memory_space<hbm>> -> memref<1x1x64xf32, #tpu.memory_space<hbm>>
        %dma_wait3A_109 = tpu.memref_squeeze %dma_wait3A_108 : memref<1x1x64xf32, #tpu.memory_space<hbm>> -> memref<64xf32, #tpu.memory_space<hbm>>
        %dma_wait3A_110 = arith.constant 0 : i32
        %dma_wait3A_111 = tpu.memref_slice %arg10[%dma_wait3A_102, %dma_wait3A_103, %dma_wait3A_110] : memref<16x8x64xf32, #tpu.memory_space<vmem>> -> memref<1x1x64xf32, #tpu.memory_space<vmem>>
        %dma_wait3A_112 = tpu.memref_squeeze %dma_wait3A_111 : memref<1x1x64xf32, #tpu.memory_space<vmem>> -> memref<64xf32, #tpu.memory_space<vmem>>
        %dma_wait3A_113 = arith.constant 0 : i32
        %dma_wait3A_114 = tpu.memref_slice %arg2[%dma_wait3A, %dma_wait3A_101, %dma_wait3A_113] : memref<12500x8x64xf32, #tpu.memory_space<hbm>> -> memref<1x1x64xf32, #tpu.memory_space<hbm>>
        %dma_wait3A_115 = tpu.memref_squeeze %dma_wait3A_114 : memref<1x1x64xf32, #tpu.memory_space<hbm>> -> memref<64xf32, #tpu.memory_space<hbm>>
        tpu.wait_dma2 semaphore(%arg12 : memref<!tpu.dma_semaphore, #tpu.memory_space<semaphore_mem>>) src(%dma_wait3A_115 : memref<64xf32, #tpu.memory_space<hbm>>) dst(%dma_wait3A_112 : memref<64xf32, #tpu.memory_space<vmem>>)
        %dma_wait3A_116 = arith.constant 0 : i32
        %dma_wait3A_117 = arith.constant 0 : i32
        %dma_wait3A_118 = arith.constant 0 : i32
        %dma_wait3A_119 = arith.constant 0 : i32
        %dma_wait3A_120 = arith.constant 0 : i32
        %dma_wait3A_121 = tpu.memref_slice %arg11[%dma_wait3A_118, %dma_wait3A_119, %dma_wait3A_120] : memref<16x8x64xf32, #tpu.memory_space<vmem>> -> memref<1x1x64xf32, #tpu.memory_space<vmem>>
        %dma_wait3A_122 = tpu.memref_squeeze %dma_wait3A_121 : memref<1x1x64xf32, #tpu.memory_space<vmem>> -> memref<64xf32, #tpu.memory_space<vmem>>
        %dma_wait3A_123 = arith.constant 0 : i32
        %dma_wait3A_124 = tpu.memref_slice %arg3[%dma_wait3A_116, %dma_wait3A_117, %dma_wait3A_123] : memref<125000x8x64xf32, #tpu.memory_space<hbm>> -> memref<1x1x64xf32, #tpu.memory_space<hbm>>
        %dma_wait3A_125 = tpu.memref_squeeze %dma_wait3A_124 : memref<1x1x64xf32, #tpu.memory_space<hbm>> -> memref<64xf32, #tpu.memory_space<hbm>>
        %dma_wait3A_126 = arith.constant 0 : i32
        %dma_wait3A_127 = tpu.memref_slice %arg11[%dma_wait3A_118, %dma_wait3A_119, %dma_wait3A_126] : memref<16x8x64xf32, #tpu.memory_space<vmem>> -> memref<1x1x64xf32, #tpu.memory_space<vmem>>
        %dma_wait3A_128 = tpu.memref_squeeze %dma_wait3A_127 : memref<1x1x64xf32, #tpu.memory_space<vmem>> -> memref<64xf32, #tpu.memory_space<vmem>>
        %dma_wait3A_129 = arith.constant 0 : i32
        %dma_wait3A_130 = tpu.memref_slice %arg3[%dma_wait3A_116, %dma_wait3A_117, %dma_wait3A_129] : memref<125000x8x64xf32, #tpu.memory_space<hbm>> -> memref<1x1x64xf32, #tpu.memory_space<hbm>>
        %dma_wait3A_131 = tpu.memref_squeeze %dma_wait3A_130 : memref<1x1x64xf32, #tpu.memory_space<hbm>> -> memref<64xf32, #tpu.memory_space<hbm>>
        tpu.wait_dma2 semaphore(%arg13 : memref<!tpu.dma_semaphore, #tpu.memory_space<semaphore_mem>>) src(%dma_wait3A_131 : memref<64xf32, #tpu.memory_space<hbm>>) dst(%dma_wait3A_128 : memref<64xf32, #tpu.memory_space<vmem>>)
      } else {
      }
    }
    %scan3A_6 = arith.constant 128 : i32
    %scan3A_7 = arith.constant 0 : i32
    %scan3A_8 = arith.constant 24 : i32
    %scan3A_9 = arith.addi %scan3A_7, %scan3A_8 : i32
    %scan3A_10 = arith.constant 1 : i32
    scf.for %scan3A_30 = %scan3A_7 to %scan3A_9 step %scan3A_10  : i32 {
      %dma_wait3A = arith.constant 0 : i32
      %dma_wait3A_31 = arith.constant 0 : i32
      %dma_wait3A_32 = arith.constant 0 : i32
      %dma_wait3A_33 = arith.constant 0 : i32
      %dma_wait3A_34 = arith.constant 0 : i32
      %dma_wait3A_35 = tpu.memref_slice %arg10[%dma_wait3A_32, %dma_wait3A_33, %dma_wait3A_34] : memref<16x8x64xf32, #tpu.memory_space<vmem>> -> memref<1x1x64xf32, #tpu.memory_space<vmem>>
      %dma_wait3A_36 = tpu.memref_squeeze %dma_wait3A_35 : memref<1x1x64xf32, #tpu.memory_space<vmem>> -> memref<64xf32, #tpu.memory_space<vmem>>
      %dma_wait3A_37 = arith.constant 0 : i32
      %dma_wait3A_38 = tpu.memref_slice %arg2[%dma_wait3A, %dma_wait3A_31, %dma_wait3A_37] : memref<12500x8x64xf32, #tpu.memory_space<hbm>> -> memref<1x1x64xf32, #tpu.memory_space<hbm>>
      %dma_wait3A_39 = tpu.memref_squeeze %dma_wait3A_38 : memref<1x1x64xf32, #tpu.memory_space<hbm>> -> memref<64xf32, #tpu.memory_space<hbm>>
      %dma_wait3A_40 = arith.constant 0 : i32
      %dma_wait3A_41 = tpu.memref_slice %arg10[%dma_wait3A_32, %dma_wait3A_33, %dma_wait3A_40] : memref<16x8x64xf32, #tpu.memory_space<vmem>> -> memref<1x1x64xf32, #tpu.memory_space<vmem>>
      %dma_wait3A_42 = tpu.memref_squeeze %dma_wait3A_41 : memref<1x1x64xf32, #tpu.memory_space<vmem>> -> memref<64xf32, #tpu.memory_space<vmem>>
      %dma_wait3A_43 = arith.constant 0 : i32
      %dma_wait3A_44 = tpu.memref_slice %arg2[%dma_wait3A, %dma_wait3A_31, %dma_wait3A_43] : memref<12500x8x64xf32, #tpu.memory_space<hbm>> -> memref<1x1x64xf32, #tpu.memory_space<hbm>>
      %dma_wait3A_45 = tpu.memref_squeeze %dma_wait3A_44 : memref<1x1x64xf32, #tpu.memory_space<hbm>> -> memref<64xf32, #tpu.memory_space<hbm>>
      tpu.wait_dma2 semaphore(%arg12 : memref<!tpu.dma_semaphore, #tpu.memory_space<semaphore_mem>>) src(%dma_wait3A_45 : memref<64xf32, #tpu.memory_space<hbm>>) dst(%dma_wait3A_42 : memref<64xf32, #tpu.memory_space<vmem>>)
      %dma_wait3A_46 = arith.constant 0 : i32
      %dma_wait3A_47 = arith.constant 0 : i32
      %dma_wait3A_48 = arith.constant 0 : i32
      %dma_wait3A_49 = arith.constant 0 : i32
      %dma_wait3A_50 = arith.constant 0 : i32
      %dma_wait3A_51 = tpu.memref_slice %arg11[%dma_wait3A_48, %dma_wait3A_49, %dma_wait3A_50] : memref<16x8x64xf32, #tpu.memory_space<vmem>> -> memref<1x1x64xf32, #tpu.memory_space<vmem>>
      %dma_wait3A_52 = tpu.memref_squeeze %dma_wait3A_51 : memref<1x1x64xf32, #tpu.memory_space<vmem>> -> memref<64xf32, #tpu.memory_space<vmem>>
      %dma_wait3A_53 = arith.constant 0 : i32
      %dma_wait3A_54 = tpu.memref_slice %arg3[%dma_wait3A_46, %dma_wait3A_47, %dma_wait3A_53] : memref<125000x8x64xf32, #tpu.memory_space<hbm>> -> memref<1x1x64xf32, #tpu.memory_space<hbm>>
      %dma_wait3A_55 = tpu.memref_squeeze %dma_wait3A_54 : memref<1x1x64xf32, #tpu.memory_space<hbm>> -> memref<64xf32, #tpu.memory_space<hbm>>
      %dma_wait3A_56 = arith.constant 0 : i32
      %dma_wait3A_57 = tpu.memref_slice %arg11[%dma_wait3A_48, %dma_wait3A_49, %dma_wait3A_56] : memref<16x8x64xf32, #tpu.memory_space<vmem>> -> memref<1x1x64xf32, #tpu.memory_space<vmem>>
      %dma_wait3A_58 = tpu.memref_squeeze %dma_wait3A_57 : memref<1x1x64xf32, #tpu.memory_space<vmem>> -> memref<64xf32, #tpu.memory_space<vmem>>
      %dma_wait3A_59 = arith.constant 0 : i32
      %dma_wait3A_60 = tpu.memref_slice %arg3[%dma_wait3A_46, %dma_wait3A_47, %dma_wait3A_59] : memref<125000x8x64xf32, #tpu.memory_space<hbm>> -> memref<1x1x64xf32, #tpu.memory_space<hbm>>
      %dma_wait3A_61 = tpu.memref_squeeze %dma_wait3A_60 : memref<1x1x64xf32, #tpu.memory_space<hbm>> -> memref<64xf32, #tpu.memory_space<hbm>>
      tpu.wait_dma2 semaphore(%arg13 : memref<!tpu.dma_semaphore, #tpu.memory_space<semaphore_mem>>) src(%dma_wait3A_61 : memref<64xf32, #tpu.memory_space<hbm>>) dst(%dma_wait3A_58 : memref<64xf32, #tpu.memory_space<vmem>>)
    }
    %scan3A_11 = arith.constant 24 : i32
    %mul3A_12 = arith.constant 32 : i32
    %mul3A_13 = arith.muli %add3A, %mul3A_12 : i32
    %add3A_14 = arith.constant 0 : i32
    %add3A_15 = arith.addi %mul3A_13, %add3A_14 : i32
    "tpu.region"() ({
      %run_scoped3A = tpu.sem_alloc : memref<!tpu.dma_semaphore, #tpu.memory_space<semaphore_mem>>
      %dma_start3A = arith.constant 0 : i32
      %dma_start3A_30 = arith.constant 0 : i32
      %dma_start3A_31 = tpu.memref_slice %arg6[%add3A_15, %dma_start3A, %dma_start3A_30] : memref<1024x8x64xf32, #tpu.memory_space<hbm>> -> memref<16x8x64xf32, #tpu.memory_space<hbm>>
      %dma_start3A_32 = arith.constant 0 : i32
      %dma_start3A_33 = arith.constant 0 : i32
      %dma_start3A_34 = tpu.memref_slice %arg6[%add3A_15, %dma_start3A_32, %dma_start3A_33] : memref<1024x8x64xf32, #tpu.memory_space<hbm>> -> memref<16x8x64xf32, #tpu.memory_space<hbm>>
      tpu.enqueue_dma source(%arg10 : memref<16x8x64xf32, #tpu.memory_space<vmem>>) target(%dma_start3A_34 : memref<16x8x64xf32, #tpu.memory_space<hbm>>) target_semaphore(%run_scoped3A : memref<!tpu.dma_semaphore, #tpu.memory_space<semaphore_mem>>)
      %dma_wait3A = arith.constant 0 : i32
      %dma_wait3A_35 = arith.constant 0 : i32
      %dma_wait3A_36 = tpu.memref_slice %arg6[%add3A_15, %dma_wait3A, %dma_wait3A_35] : memref<1024x8x64xf32, #tpu.memory_space<hbm>> -> memref<16x8x64xf32, #tpu.memory_space<hbm>>
      %dma_wait3A_37 = arith.constant 0 : i32
      %dma_wait3A_38 = arith.constant 0 : i32
      %dma_wait3A_39 = tpu.memref_slice %arg6[%add3A_15, %dma_wait3A_37, %dma_wait3A_38] : memref<1024x8x64xf32, #tpu.memory_space<hbm>> -> memref<16x8x64xf32, #tpu.memory_space<hbm>>
      tpu.wait_dma2 semaphore(%run_scoped3A : memref<!tpu.dma_semaphore, #tpu.memory_space<semaphore_mem>>) src(%arg10 : memref<16x8x64xf32, #tpu.memory_space<vmem>>) dst(%dma_wait3A_39 : memref<16x8x64xf32, #tpu.memory_space<hbm>>)
      tpu.yield
    }) : () -> ()
    "tpu.region"() ({
      %run_scoped3A = tpu.sem_alloc : memref<!tpu.dma_semaphore, #tpu.memory_space<semaphore_mem>>
      %dma_start3A = arith.constant 0 : i32
      %dma_start3A_30 = arith.constant 0 : i32
      %dma_start3A_31 = tpu.memref_slice %arg7[%add3A_15, %dma_start3A, %dma_start3A_30] : memref<1024x8x64xf32, #tpu.memory_space<hbm>> -> memref<16x8x64xf32, #tpu.memory_space<hbm>>
      %dma_start3A_32 = arith.constant 0 : i32
      %dma_start3A_33 = arith.constant 0 : i32
      %dma_start3A_34 = tpu.memref_slice %arg7[%add3A_15, %dma_start3A_32, %dma_start3A_33] : memref<1024x8x64xf32, #tpu.memory_space<hbm>> -> memref<16x8x64xf32, #tpu.memory_space<hbm>>
      tpu.enqueue_dma source(%arg11 : memref<16x8x64xf32, #tpu.memory_space<vmem>>) target(%dma_start3A_34 : memref<16x8x64xf32, #tpu.memory_space<hbm>>) target_semaphore(%run_scoped3A : memref<!tpu.dma_semaphore, #tpu.memory_space<semaphore_mem>>)
      %dma_wait3A = arith.constant 0 : i32
      %dma_wait3A_35 = arith.constant 0 : i32
      %dma_wait3A_36 = tpu.memref_slice %arg7[%add3A_15, %dma_wait3A, %dma_wait3A_35] : memref<1024x8x64xf32, #tpu.memory_space<hbm>> -> memref<16x8x64xf32, #tpu.memory_space<hbm>>
      %dma_wait3A_37 = arith.constant 0 : i32
      %dma_wait3A_38 = arith.constant 0 : i32
      %dma_wait3A_39 = tpu.memref_slice %arg7[%add3A_15, %dma_wait3A_37, %dma_wait3A_38] : memref<1024x8x64xf32, #tpu.memory_space<hbm>> -> memref<16x8x64xf32, #tpu.memory_space<hbm>>
      tpu.wait_dma2 semaphore(%run_scoped3A : memref<!tpu.dma_semaphore, #tpu.memory_space<semaphore_mem>>) src(%arg11 : memref<16x8x64xf32, #tpu.memory_space<vmem>>) dst(%dma_wait3A_39 : memref<16x8x64xf32, #tpu.memory_space<hbm>>)
      tpu.yield
    }) : () -> ()
    %scan3A_16 = arith.constant 0 : i32
    %scan3A_17 = arith.constant 128 : i32
    %scan3A_18 = arith.addi %scan3A_16, %scan3A_17 : i32
    %scan3A_19 = arith.constant 1 : i32
    scf.for %scan3A_30 = %scan3A_16 to %scan3A_18 step %scan3A_19  : i32 {
      %shift_right_arithmetic3A = arith.constant 4 : i32
      %shift_right_arithmetic3A_31 = arith.shrsi %scan3A_30, %shift_right_arithmetic3A : i32
      %shift_left3A = arith.constant 4 : i32
      %shift_left3A_32 = arith.shli %shift_right_arithmetic3A_31, %shift_left3A : i32
      %add3A_33 = arith.constant 128 : i32
      %add3A_34 = arith.addi %add3A_33, %shift_left3A_32 : i32
      %and3A = arith.constant 15 : i32
      %and3A_35 = arith.andi %scan3A_30, %and3A : i32
      %get3A = arith.index_cast %add3A_34 : i32 to index
      %get3A_36 = tpu.vector_load %arg8[%get3A] {strides = array<i32>} : memref<256xi32, #tpu.memory_space<vmem>>, vector<16xi32>,
      %get3A_37 = arith.index_cast %add3A_34 : i32 to index
      %get3A_38 = tpu.vector_load %arg9[%get3A_37] {strides = array<i32>} : memref<256xi32, #tpu.memory_space<vmem>>, vector<16xi32>,
      %eq3A = vector.broadcast %and3A_35 : i32 to vector<16xi32>
      %eq3A_39 = arith.cmpi eq, %iota3A, %eq3A : vector<16xi32>
      %jit3A = arith.constant 0 : i32
      %broadcast_in_dim3A = vector.broadcast %jit3A : i32 to vector<16xi32>
      %select_n3A = arith.select %eq3A_39, %get3A_36, %broadcast_in_dim3A : vector<16xi1>, vector<16xi32>
      %reduce_max3A = arith.constant true
      %reduce_max3A_40 = vector.broadcast %reduce_max3A : i1 to vector<16xi1>
      %reduce_max3A_41 = arith.constant -2147483648 : i32
      %reduce_max3A_42 = vector.broadcast %reduce_max3A_41 : i32 to vector<16xi32>
      %reduce_max3A_43 = arith.xori %select_n3A, %reduce_max3A_42 : vector<16xi32>
      %reduce_max3A_44 = tpu.scan <max>, %reduce_max3A_43 masked %reduce_max3A_40 : vector<16xi32>, vector<16xi1> -> vector<16xi32>
      %reduce_max3A_45 = arith.xori %reduce_max3A_44, %reduce_max3A_42 : vector<16xi32>
      %reduce_max3A_46 = vector.extract %reduce_max3A_45[15] : i32 from vector<16xi32>
      %eq3A_47 = vector.broadcast %and3A_35 : i32 to vector<16xi32>
      %eq3A_48 = arith.cmpi eq, %iota3A, %eq3A_47 : vector<16xi32>
      %jit3A_49 = arith.constant 0 : i32
      %broadcast_in_dim3A_50 = vector.broadcast %jit3A_49 : i32 to vector<16xi32>
      %select_n3A_51 = arith.select %eq3A_48, %get3A_38, %broadcast_in_dim3A_50 : vector<16xi1>, vector<16xi32>
      %reduce_max3A_52 = arith.constant true
      %reduce_max3A_53 = vector.broadcast %reduce_max3A_52 : i1 to vector<16xi1>
      %reduce_max3A_54 = arith.constant -2147483648 : i32
      %reduce_max3A_55 = vector.broadcast %reduce_max3A_54 : i32 to vector<16xi32>
      %reduce_max3A_56 = arith.xori %select_n3A_51, %reduce_max3A_55 : vector<16xi32>
      %reduce_max3A_57 = tpu.scan <max>, %reduce_max3A_56 masked %reduce_max3A_53 : vector<16xi32>, vector<16xi1> -> vector<16xi32>
      %reduce_max3A_58 = arith.xori %reduce_max3A_57, %reduce_max3A_55 : vector<16xi32>
      %reduce_max3A_59 = vector.extract %reduce_max3A_58[15] : i32 from vector<16xi32>
      %shift_right_arithmetic3A_60 = arith.constant 3 : i32
      %shift_right_arithmetic3A_61 = arith.shrsi %reduce_max3A_46, %shift_right_arithmetic3A_60 : i32
      %and3A_62 = arith.constant 7 : i32
      %and3A_63 = arith.andi %reduce_max3A_46, %and3A_62 : i32
      %shift_right_arithmetic3A_64 = arith.constant 3 : i32
      %shift_right_arithmetic3A_65 = arith.shrsi %scan3A_30, %shift_right_arithmetic3A_64 : i32
      %and3A_66 = arith.constant 7 : i32
      %and3A_67 = arith.andi %scan3A_30, %and3A_66 : i32
      %dma_start3A = arith.constant 0 : i32
      %dma_start3A_68 = tpu.memref_slice %arg10[%shift_right_arithmetic3A_65, %and3A_67, %dma_start3A] : memref<16x8x64xf32, #tpu.memory_space<vmem>> -> memref<1x1x64xf32, #tpu.memory_space<vmem>>
      %dma_start3A_69 = tpu.memref_squeeze %dma_start3A_68 : memref<1x1x64xf32, #tpu.memory_space<vmem>> -> memref<64xf32, #tpu.memory_space<vmem>>
      %dma_start3A_70 = arith.constant 0 : i32
      %dma_start3A_71 = tpu.memref_slice %arg2[%shift_right_arithmetic3A_61, %and3A_63, %dma_start3A_70] : memref<12500x8x64xf32, #tpu.memory_space<hbm>> -> memref<1x1x64xf32, #tpu.memory_space<hbm>>
      %dma_start3A_72 = tpu.memref_squeeze %dma_start3A_71 : memref<1x1x64xf32, #tpu.memory_space<hbm>> -> memref<64xf32, #tpu.memory_space<hbm>>
      %dma_start3A_73 = arith.constant 0 : i32
      %dma_start3A_74 = tpu.memref_slice %arg10[%shift_right_arithmetic3A_65, %and3A_67, %dma_start3A_73] : memref<16x8x64xf32, #tpu.memory_space<vmem>> -> memref<1x1x64xf32, #tpu.memory_space<vmem>>
      %dma_start3A_75 = tpu.memref_squeeze %dma_start3A_74 : memref<1x1x64xf32, #tpu.memory_space<vmem>> -> memref<64xf32, #tpu.memory_space<vmem>>
      %dma_start3A_76 = arith.constant 0 : i32
      %dma_start3A_77 = tpu.memref_slice %arg2[%shift_right_arithmetic3A_61, %and3A_63, %dma_start3A_76] : memref<12500x8x64xf32, #tpu.memory_space<hbm>> -> memref<1x1x64xf32, #tpu.memory_space<hbm>>
      %dma_start3A_78 = tpu.memref_squeeze %dma_start3A_77 : memref<1x1x64xf32, #tpu.memory_space<hbm>> -> memref<64xf32, #tpu.memory_space<hbm>>
      tpu.enqueue_dma source(%dma_start3A_78 : memref<64xf32, #tpu.memory_space<hbm>>) target(%dma_start3A_75 : memref<64xf32, #tpu.memory_space<vmem>>) target_semaphore(%arg12 : memref<!tpu.dma_semaphore, #tpu.memory_space<semaphore_mem>>)
      %shift_right_arithmetic3A_79 = arith.constant 3 : i32
      %shift_right_arithmetic3A_80 = arith.shrsi %reduce_max3A_59, %shift_right_arithmetic3A_79 : i32
      %and3A_81 = arith.constant 7 : i32
      %and3A_82 = arith.andi %reduce_max3A_59, %and3A_81 : i32
      %shift_right_arithmetic3A_83 = arith.constant 3 : i32
      %shift_right_arithmetic3A_84 = arith.shrsi %scan3A_30, %shift_right_arithmetic3A_83 : i32
      %and3A_85 = arith.constant 7 : i32
      %and3A_86 = arith.andi %scan3A_30, %and3A_85 : i32
      %dma_start3A_87 = arith.constant 0 : i32
      %dma_start3A_88 = tpu.memref_slice %arg11[%shift_right_arithmetic3A_84, %and3A_86, %dma_start3A_87] : memref<16x8x64xf32, #tpu.memory_space<vmem>> -> memref<1x1x64xf32, #tpu.memory_space<vmem>>
      %dma_start3A_89 = tpu.memref_squeeze %dma_start3A_88 : memref<1x1x64xf32, #tpu.memory_space<vmem>> -> memref<64xf32, #tpu.memory_space<vmem>>
      %dma_start3A_90 = arith.constant 0 : i32
      %dma_start3A_91 = tpu.memref_slice %arg3[%shift_right_arithmetic3A_80, %and3A_82, %dma_start3A_90] : memref<125000x8x64xf32, #tpu.memory_space<hbm>> -> memref<1x1x64xf32, #tpu.memory_space<hbm>>
      %dma_start3A_92 = tpu.memref_squeeze %dma_start3A_91 : memref<1x1x64xf32, #tpu.memory_space<hbm>> -> memref<64xf32, #tpu.memory_space<hbm>>
      %dma_start3A_93 = arith.constant 0 : i32
      %dma_start3A_94 = tpu.memref_slice %arg11[%shift_right_arithmetic3A_84, %and3A_86, %dma_start3A_93] : memref<16x8x64xf32, #tpu.memory_space<vmem>> -> memref<1x1x64xf32, #tpu.memory_space<vmem>>
      %dma_start3A_95 = tpu.memref_squeeze %dma_start3A_94 : memref<1x1x64xf32, #tpu.memory_space<vmem>> -> memref<64xf32, #tpu.memory_space<vmem>>
      %dma_start3A_96 = arith.constant 0 : i32
      %dma_start3A_97 = tpu.memref_slice %arg3[%shift_right_arithmetic3A_80, %and3A_82, %dma_start3A_96] : memref<125000x8x64xf32, #tpu.memory_space<hbm>> -> memref<1x1x64xf32, #tpu.memory_space<hbm>>
      %dma_start3A_98 = tpu.memref_squeeze %dma_start3A_97 : memref<1x1x64xf32, #tpu.memory_space<hbm>> -> memref<64xf32, #tpu.memory_space<hbm>>
      tpu.enqueue_dma source(%dma_start3A_98 : memref<64xf32, #tpu.memory_space<hbm>>) target(%dma_start3A_95 : memref<64xf32, #tpu.memory_space<vmem>>) target_semaphore(%arg13 : memref<!tpu.dma_semaphore, #tpu.memory_space<semaphore_mem>>)
      %ge3A = arith.constant 24 : i32
      %ge3A_99 = arith.cmpi sge, %scan3A_30, %ge3A : i32
      %convert_element_type3A = arith.extui %ge3A_99 : i1 to i32
      %cond3A = arith.constant 0 : i32
      %cond3A_100 = arith.cmpi ne, %convert_element_type3A, %cond3A : i32
      scf.if %cond3A_100 {
        %dma_wait3A = arith.constant 0 : i32
        %dma_wait3A_101 = arith.constant 0 : i32
        %dma_wait3A_102 = arith.constant 0 : i32
        %dma_wait3A_103 = arith.constant 0 : i32
        %dma_wait3A_104 = arith.constant 0 : i32
        %dma_wait3A_105 = tpu.memref_slice %arg10[%dma_wait3A_102, %dma_wait3A_103, %dma_wait3A_104] : memref<16x8x64xf32, #tpu.memory_space<vmem>> -> memref<1x1x64xf32, #tpu.memory_space<vmem>>
        %dma_wait3A_106 = tpu.memref_squeeze %dma_wait3A_105 : memref<1x1x64xf32, #tpu.memory_space<vmem>> -> memref<64xf32, #tpu.memory_space<vmem>>
        %dma_wait3A_107 = arith.constant 0 : i32
        %dma_wait3A_108 = tpu.memref_slice %arg2[%dma_wait3A, %dma_wait3A_101, %dma_wait3A_107] : memref<12500x8x64xf32, #tpu.memory_space<hbm>> -> memref<1x1x64xf32, #tpu.memory_space<hbm>>
        %dma_wait3A_109 = tpu.memref_squeeze %dma_wait3A_108 : memref<1x1x64xf32, #tpu.memory_space<hbm>> -> memref<64xf32, #tpu.memory_space<hbm>>
        %dma_wait3A_110 = arith.constant 0 : i32
        %dma_wait3A_111 = tpu.memref_slice %arg10[%dma_wait3A_102, %dma_wait3A_103, %dma_wait3A_110] : memref<16x8x64xf32, #tpu.memory_space<vmem>> -> memref<1x1x64xf32, #tpu.memory_space<vmem>>
        %dma_wait3A_112 = tpu.memref_squeeze %dma_wait3A_111 : memref<1x1x64xf32, #tpu.memory_space<vmem>> -> memref<64xf32, #tpu.memory_space<vmem>>
        %dma_wait3A_113 = arith.constant 0 : i32
        %dma_wait3A_114 = tpu.memref_slice %arg2[%dma_wait3A, %dma_wait3A_101, %dma_wait3A_113] : memref<12500x8x64xf32, #tpu.memory_space<hbm>> -> memref<1x1x64xf32, #tpu.memory_space<hbm>>
        %dma_wait3A_115 = tpu.memref_squeeze %dma_wait3A_114 : memref<1x1x64xf32, #tpu.memory_space<hbm>> -> memref<64xf32, #tpu.memory_space<hbm>>
        tpu.wait_dma2 semaphore(%arg12 : memref<!tpu.dma_semaphore, #tpu.memory_space<semaphore_mem>>) src(%dma_wait3A_115 : memref<64xf32, #tpu.memory_space<hbm>>) dst(%dma_wait3A_112 : memref<64xf32, #tpu.memory_space<vmem>>)
        %dma_wait3A_116 = arith.constant 0 : i32
        %dma_wait3A_117 = arith.constant 0 : i32
        %dma_wait3A_118 = arith.constant 0 : i32
        %dma_wait3A_119 = arith.constant 0 : i32
        %dma_wait3A_120 = arith.constant 0 : i32
        %dma_wait3A_121 = tpu.memref_slice %arg11[%dma_wait3A_118, %dma_wait3A_119, %dma_wait3A_120] : memref<16x8x64xf32, #tpu.memory_space<vmem>> -> memref<1x1x64xf32, #tpu.memory_space<vmem>>
        %dma_wait3A_122 = tpu.memref_squeeze %dma_wait3A_121 : memref<1x1x64xf32, #tpu.memory_space<vmem>> -> memref<64xf32, #tpu.memory_space<vmem>>
        %dma_wait3A_123 = arith.constant 0 : i32
        %dma_wait3A_124 = tpu.memref_slice %arg3[%dma_wait3A_116, %dma_wait3A_117, %dma_wait3A_123] : memref<125000x8x64xf32, #tpu.memory_space<hbm>> -> memref<1x1x64xf32, #tpu.memory_space<hbm>>
        %dma_wait3A_125 = tpu.memref_squeeze %dma_wait3A_124 : memref<1x1x64xf32, #tpu.memory_space<hbm>> -> memref<64xf32, #tpu.memory_space<hbm>>
        %dma_wait3A_126 = arith.constant 0 : i32
        %dma_wait3A_127 = tpu.memref_slice %arg11[%dma_wait3A_118, %dma_wait3A_119, %dma_wait3A_126] : memref<16x8x64xf32, #tpu.memory_space<vmem>> -> memref<1x1x64xf32, #tpu.memory_space<vmem>>
        %dma_wait3A_128 = tpu.memref_squeeze %dma_wait3A_127 : memref<1x1x64xf32, #tpu.memory_space<vmem>> -> memref<64xf32, #tpu.memory_space<vmem>>
        %dma_wait3A_129 = arith.constant 0 : i32
        %dma_wait3A_130 = tpu.memref_slice %arg3[%dma_wait3A_116, %dma_wait3A_117, %dma_wait3A_129] : memref<125000x8x64xf32, #tpu.memory_space<hbm>> -> memref<1x1x64xf32, #tpu.memory_space<hbm>>
        %dma_wait3A_131 = tpu.memref_squeeze %dma_wait3A_130 : memref<1x1x64xf32, #tpu.memory_space<hbm>> -> memref<64xf32, #tpu.memory_space<hbm>>
        tpu.wait_dma2 semaphore(%arg13 : memref<!tpu.dma_semaphore, #tpu.memory_space<semaphore_mem>>) src(%dma_wait3A_131 : memref<64xf32, #tpu.memory_space<hbm>>) dst(%dma_wait3A_128 : memref<64xf32, #tpu.memory_space<vmem>>)
      } else {
      }
    }
    %scan3A_20 = arith.constant 128 : i32
    %scan3A_21 = arith.constant 0 : i32
    %scan3A_22 = arith.constant 24 : i32
    %scan3A_23 = arith.addi %scan3A_21, %scan3A_22 : i32
    %scan3A_24 = arith.constant 1 : i32
    scf.for %scan3A_30 = %scan3A_21 to %scan3A_23 step %scan3A_24  : i32 {
      %dma_wait3A = arith.constant 0 : i32
      %dma_wait3A_31 = arith.constant 0 : i32
      %dma_wait3A_32 = arith.constant 0 : i32
      %dma_wait3A_33 = arith.constant 0 : i32
      %dma_wait3A_34 = arith.constant 0 : i32
      %dma_wait3A_35 = tpu.memref_slice %arg10[%dma_wait3A_32, %dma_wait3A_33, %dma_wait3A_34] : memref<16x8x64xf32, #tpu.memory_space<vmem>> -> memref<1x1x64xf32, #tpu.memory_space<vmem>>
      %dma_wait3A_36 = tpu.memref_squeeze %dma_wait3A_35 : memref<1x1x64xf32, #tpu.memory_space<vmem>> -> memref<64xf32, #tpu.memory_space<vmem>>
      %dma_wait3A_37 = arith.constant 0 : i32
      %dma_wait3A_38 = tpu.memref_slice %arg2[%dma_wait3A, %dma_wait3A_31, %dma_wait3A_37] : memref<12500x8x64xf32, #tpu.memory_space<hbm>> -> memref<1x1x64xf32, #tpu.memory_space<hbm>>
      %dma_wait3A_39 = tpu.memref_squeeze %dma_wait3A_38 : memref<1x1x64xf32, #tpu.memory_space<hbm>> -> memref<64xf32, #tpu.memory_space<hbm>>
      %dma_wait3A_40 = arith.constant 0 : i32
      %dma_wait3A_41 = tpu.memref_slice %arg10[%dma_wait3A_32, %dma_wait3A_33, %dma_wait3A_40] : memref<16x8x64xf32, #tpu.memory_space<vmem>> -> memref<1x1x64xf32, #tpu.memory_space<vmem>>
      %dma_wait3A_42 = tpu.memref_squeeze %dma_wait3A_41 : memref<1x1x64xf32, #tpu.memory_space<vmem>> -> memref<64xf32, #tpu.memory_space<vmem>>
      %dma_wait3A_43 = arith.constant 0 : i32
      %dma_wait3A_44 = tpu.memref_slice %arg2[%dma_wait3A, %dma_wait3A_31, %dma_wait3A_43] : memref<12500x8x64xf32, #tpu.memory_space<hbm>> -> memref<1x1x64xf32, #tpu.memory_space<hbm>>
      %dma_wait3A_45 = tpu.memref_squeeze %dma_wait3A_44 : memref<1x1x64xf32, #tpu.memory_space<hbm>> -> memref<64xf32, #tpu.memory_space<hbm>>
      tpu.wait_dma2 semaphore(%arg12 : memref<!tpu.dma_semaphore, #tpu.memory_space<semaphore_mem>>) src(%dma_wait3A_45 : memref<64xf32, #tpu.memory_space<hbm>>) dst(%dma_wait3A_42 : memref<64xf32, #tpu.memory_space<vmem>>)
      %dma_wait3A_46 = arith.constant 0 : i32
      %dma_wait3A_47 = arith.constant 0 : i32
      %dma_wait3A_48 = arith.constant 0 : i32
      %dma_wait3A_49 = arith.constant 0 : i32
      %dma_wait3A_50 = arith.constant 0 : i32
      %dma_wait3A_51 = tpu.memref_slice %arg11[%dma_wait3A_48, %dma_wait3A_49, %dma_wait3A_50] : memref<16x8x64xf32, #tpu.memory_space<vmem>> -> memref<1x1x64xf32, #tpu.memory_space<vmem>>
      %dma_wait3A_52 = tpu.memref_squeeze %dma_wait3A_51 : memref<1x1x64xf32, #tpu.memory_space<vmem>> -> memref<64xf32, #tpu.memory_space<vmem>>
      %dma_wait3A_53 = arith.constant 0 : i32
      %dma_wait3A_54 = tpu.memref_slice %arg3[%dma_wait3A_46, %dma_wait3A_47, %dma_wait3A_53] : memref<125000x8x64xf32, #tpu.memory_space<hbm>> -> memref<1x1x64xf32, #tpu.memory_space<hbm>>
      %dma_wait3A_55 = tpu.memref_squeeze %dma_wait3A_54 : memref<1x1x64xf32, #tpu.memory_space<hbm>> -> memref<64xf32, #tpu.memory_space<hbm>>
      %dma_wait3A_56 = arith.constant 0 : i32
      %dma_wait3A_57 = tpu.memref_slice %arg11[%dma_wait3A_48, %dma_wait3A_49, %dma_wait3A_56] : memref<16x8x64xf32, #tpu.memory_space<vmem>> -> memref<1x1x64xf32, #tpu.memory_space<vmem>>
      %dma_wait3A_58 = tpu.memref_squeeze %dma_wait3A_57 : memref<1x1x64xf32, #tpu.memory_space<vmem>> -> memref<64xf32, #tpu.memory_space<vmem>>
      %dma_wait3A_59 = arith.constant 0 : i32
      %dma_wait3A_60 = tpu.memref_slice %arg3[%dma_wait3A_46, %dma_wait3A_47, %dma_wait3A_59] : memref<125000x8x64xf32, #tpu.memory_space<hbm>> -> memref<1x1x64xf32, #tpu.memory_space<hbm>>
      %dma_wait3A_61 = tpu.memref_squeeze %dma_wait3A_60 : memref<1x1x64xf32, #tpu.memory_space<hbm>> -> memref<64xf32, #tpu.memory_space<hbm>>
      tpu.wait_dma2 semaphore(%arg13 : memref<!tpu.dma_semaphore, #tpu.memory_space<semaphore_mem>>) src(%dma_wait3A_61 : memref<64xf32, #tpu.memory_space<hbm>>) dst(%dma_wait3A_58 : memref<64xf32, #tpu.memory_space<vmem>>)
    }
    %scan3A_25 = arith.constant 24 : i32
    %mul3A_26 = arith.constant 32 : i32
    %mul3A_27 = arith.muli %add3A, %mul3A_26 : i32
    %add3A_28 = arith.constant 16 : i32
    %add3A_29 = arith.addi %mul3A_27, %add3A_28 : i32
    "tpu.region"() ({
      %run_scoped3A = tpu.sem_alloc : memref<!tpu.dma_semaphore, #tpu.memory_space<semaphore_mem>>
      %dma_start3A = arith.constant 0 : i32
      %dma_start3A_30 = arith.constant 0 : i32
      %dma_start3A_31 = tpu.memref_slice %arg6[%add3A_29, %dma_start3A, %dma_start3A_30] : memref<1024x8x64xf32, #tpu.memory_space<hbm>> -> memref<16x8x64xf32, #tpu.memory_space<hbm>>
      %dma_start3A_32 = arith.constant 0 : i32
      %dma_start3A_33 = arith.constant 0 : i32
      %dma_start3A_34 = tpu.memref_slice %arg6[%add3A_29, %dma_start3A_32, %dma_start3A_33] : memref<1024x8x64xf32, #tpu.memory_space<hbm>> -> memref<16x8x64xf32, #tpu.memory_space<hbm>>
      tpu.enqueue_dma source(%arg10 : memref<16x8x64xf32, #tpu.memory_space<vmem>>) target(%dma_start3A_34 : memref<16x8x64xf32, #tpu.memory_space<hbm>>) target_semaphore(%run_scoped3A : memref<!tpu.dma_semaphore, #tpu.memory_space<semaphore_mem>>)
      %dma_wait3A = arith.constant 0 : i32
      %dma_wait3A_35 = arith.constant 0 : i32
      %dma_wait3A_36 = tpu.memref_slice %arg6[%add3A_29, %dma_wait3A, %dma_wait3A_35] : memref<1024x8x64xf32, #tpu.memory_space<hbm>> -> memref<16x8x64xf32, #tpu.memory_space<hbm>>
      %dma_wait3A_37 = arith.constant 0 : i32
      %dma_wait3A_38 = arith.constant 0 : i32
      %dma_wait3A_39 = tpu.memref_slice %arg6[%add3A_29, %dma_wait3A_37, %dma_wait3A_38] : memref<1024x8x64xf32, #tpu.memory_space<hbm>> -> memref<16x8x64xf32, #tpu.memory_space<hbm>>
      tpu.wait_dma2 semaphore(%run_scoped3A : memref<!tpu.dma_semaphore, #tpu.memory_space<semaphore_mem>>) src(%arg10 : memref<16x8x64xf32, #tpu.memory_space<vmem>>) dst(%dma_wait3A_39 : memref<16x8x64xf32, #tpu.memory_space<hbm>>)
      tpu.yield
    }) : () -> ()
    "tpu.region"() ({
      %run_scoped3A = tpu.sem_alloc : memref<!tpu.dma_semaphore, #tpu.memory_space<semaphore_mem>>
      %dma_start3A = arith.constant 0 : i32
      %dma_start3A_30 = arith.constant 0 : i32
      %dma_start3A_31 = tpu.memref_slice %arg7[%add3A_29, %dma_start3A, %dma_start3A_30] : memref<1024x8x64xf32, #tpu.memory_space<hbm>> -> memref<16x8x64xf32, #tpu.memory_space<hbm>>
      %dma_start3A_32 = arith.constant 0 : i32
      %dma_start3A_33 = arith.constant 0 : i32
      %dma_start3A_34 = tpu.memref_slice %arg7[%add3A_29, %dma_start3A_32, %dma_start3A_33] : memref<1024x8x64xf32, #tpu.memory_space<hbm>> -> memref<16x8x64xf32, #tpu.memory_space<hbm>>
      tpu.enqueue_dma source(%arg11 : memref<16x8x64xf32, #tpu.memory_space<vmem>>) target(%dma_start3A_34 : memref<16x8x64xf32, #tpu.memory_space<hbm>>) target_semaphore(%run_scoped3A : memref<!tpu.dma_semaphore, #tpu.memory_space<semaphore_mem>>)
      %dma_wait3A = arith.constant 0 : i32
      %dma_wait3A_35 = arith.constant 0 : i32
      %dma_wait3A_36 = tpu.memref_slice %arg7[%add3A_29, %dma_wait3A, %dma_wait3A_35] : memref<1024x8x64xf32, #tpu.memory_space<hbm>> -> memref<16x8x64xf32, #tpu.memory_space<hbm>>
      %dma_wait3A_37 = arith.constant 0 : i32
      %dma_wait3A_38 = arith.constant 0 : i32
      %dma_wait3A_39 = tpu.memref_slice %arg7[%add3A_29, %dma_wait3A_37, %dma_wait3A_38] : memref<1024x8x64xf32, #tpu.memory_space<hbm>> -> memref<16x8x64xf32, #tpu.memory_space<hbm>>
      tpu.wait_dma2 semaphore(%run_scoped3A : memref<!tpu.dma_semaphore, #tpu.memory_space<semaphore_mem>>) src(%arg11 : memref<16x8x64xf32, #tpu.memory_space<vmem>>) dst(%dma_wait3A_39 : memref<16x8x64xf32, #tpu.memory_space<hbm>>)
      tpu.yield
    }) : () -> ()
    return
  }
}

module attributes {stable_mosaic.version = 14 : i64} {
  func.func @_mlp_body(%arg0: i32, %arg1: memref<1024x64xf32, #tpu.memory_space<vmem>>, %arg2: memref<1024x64xf32, #tpu.memory_space<vmem>>, %arg3: memref<64x256xf32, #tpu.memory_space<vmem>>, %arg4: memref<64x256xf32, #tpu.memory_space<vmem>>, %arg5: memref<1x256xf32, #tpu.memory_space<vmem>>, %arg6: memref<256x256xf32, #tpu.memory_space<vmem>>, %arg7: memref<1x256xf32, #tpu.memory_space<vmem>>, %arg8: memref<256x1xf32, #tpu.memory_space<vmem>>, %arg9: memref<1x1xf32, #tpu.memory_space<vmem>>, %arg10: memref<1024x1xf32, #tpu.memory_space<vmem>>) attributes {dimension_semantics = [#tpu.dimension_semantics<arbitrary>], iteration_bounds = array<i64: 8>, scalar_prefetch = 0 : i64, scratch_operands = 0 : i64, tpu.core_type = #tpu.core_type<tc>, window_params = [{transform_indices = @transform_0, window_bounds = array<i64: 1024, 64>}, {transform_indices = @transform_1, window_bounds = array<i64: 1024, 64>}, {pipeline_mode = #tpu.pipeline_mode<synchronous>, transform_indices = @transform_2, window_bounds = array<i64: 64, 256>}, {pipeline_mode = #tpu.pipeline_mode<synchronous>, transform_indices = @transform_3, window_bounds = array<i64: 64, 256>}, {pipeline_mode = #tpu.pipeline_mode<synchronous>, transform_indices = @transform_4, window_bounds = array<i64: 1, 256>}, {pipeline_mode = #tpu.pipeline_mode<synchronous>, transform_indices = @transform_5, window_bounds = array<i64: 256, 256>}, {pipeline_mode = #tpu.pipeline_mode<synchronous>, transform_indices = @transform_6, window_bounds = array<i64: 1, 256>}, {pipeline_mode = #tpu.pipeline_mode<synchronous>, transform_indices = @transform_7, window_bounds = array<i64: 256, 1>}, {pipeline_mode = #tpu.pipeline_mode<synchronous>, transform_indices = @transform_8, window_bounds = array<i64: 1, 1>}, {transform_indices = @transform_9, window_bounds = array<i64: 1024, 1>}]} {
    %get3A = arith.constant 0 : index
    %get3A_0 = arith.constant 0 : index
    %get3A_1 = vector.load %arg1[%get3A, %get3A_0] : memref<1024x64xf32, #tpu.memory_space<vmem>>, vector<1024x64xf32>
    %get3A_2 = arith.constant 0 : index
    %get3A_3 = arith.constant 0 : index
    %get3A_4 = vector.load %arg2[%get3A_2, %get3A_3] : memref<1024x64xf32, #tpu.memory_space<vmem>>, vector<1024x64xf32>
    %get3A_5 = arith.constant 0 : index
    %get3A_6 = arith.constant 0 : index
    %get3A_7 = vector.load %arg3[%get3A_5, %get3A_6] : memref<64x256xf32, #tpu.memory_space<vmem>>, vector<64x256xf32>
    %dot_general3A = arith.constant dense<0.000000e+00> : vector<1024x256xf32>
    %dot_general3A_8 = tpu.matmul %get3A_1, %get3A_7, %dot_general3A {dimension_numbers = #tpu.dot_dimension_numbers<[1], [0], [0], [1], [0, 0, 1, 1], [], []>, transpose_lhs_hint = false} : vector<1024x64xf32>, vector<64x256xf32>, vector<1024x256xf32> -> vector<1024x256xf32>
    %get3A_9 = arith.constant 0 : index
    %get3A_10 = arith.constant 0 : index
    %get3A_11 = vector.load %arg4[%get3A_9, %get3A_10] : memref<64x256xf32, #tpu.memory_space<vmem>>, vector<64x256xf32>
    %dot_general3A_12 = arith.constant dense<0.000000e+00> : vector<1024x256xf32>
    %dot_general3A_13 = tpu.matmul %get3A_4, %get3A_11, %dot_general3A_12 {dimension_numbers = #tpu.dot_dimension_numbers<[1], [0], [0], [1], [0, 0, 1, 1], [], []>, transpose_lhs_hint = false} : vector<1024x64xf32>, vector<64x256xf32>, vector<1024x256xf32> -> vector<1024x256xf32>
    %add3A = arith.addf %dot_general3A_8, %dot_general3A_13 : vector<1024x256xf32>
    %get3A_14 = arith.constant 0 : index
    %get3A_15 = arith.constant 0 : index
    %get3A_16 = vector.load %arg5[%get3A_14, %get3A_15] : memref<1x256xf32, #tpu.memory_space<vmem>>, vector<1x256xf32>
    %add3A_17 = vector.broadcast %get3A_16 : vector<1x256xf32> to vector<1024x256xf32>
    %add3A_18 = arith.addf %add3A, %add3A_17 : vector<1024x256xf32>
    %mul3A = arith.constant 5.000000e-01 : f32
    %mul3A_19 = vector.broadcast %mul3A : f32 to vector<1024x256xf32>
    %mul3A_20 = arith.mulf %mul3A_19, %add3A_18 : vector<1024x256xf32>
    %mul3A_21 = arith.constant 0.707106769 : f32
    %mul3A_22 = vector.broadcast %mul3A_21 : f32 to vector<1024x256xf32>
    %mul3A_23 = arith.mulf %add3A_18, %mul3A_22 : vector<1024x256xf32>
    %erf3A = math.erf %mul3A_23 : vector<1024x256xf32>
    %add3A_24 = arith.constant 1.000000e+00 : f32
    %add3A_25 = vector.broadcast %add3A_24 : f32 to vector<1024x256xf32>
    %add3A_26 = arith.addf %add3A_25, %erf3A : vector<1024x256xf32>
    %mul3A_27 = arith.mulf %mul3A_20, %add3A_26 : vector<1024x256xf32>
    %get3A_28 = arith.constant 0 : index
    %get3A_29 = arith.constant 0 : index
    %get3A_30 = vector.load %arg6[%get3A_28, %get3A_29] : memref<256x256xf32, #tpu.memory_space<vmem>>, vector<256x256xf32>
    %dot_general3A_31 = arith.constant dense<0.000000e+00> : vector<1024x256xf32>
    %dot_general3A_32 = tpu.matmul %mul3A_27, %get3A_30, %dot_general3A_31 {dimension_numbers = #tpu.dot_dimension_numbers<[1], [0], [0], [1], [0, 0, 1, 1], [], []>, transpose_lhs_hint = false} : vector<1024x256xf32>, vector<256x256xf32>, vector<1024x256xf32> -> vector<1024x256xf32>
    %get3A_33 = arith.constant 0 : index
    %get3A_34 = arith.constant 0 : index
    %get3A_35 = vector.load %arg7[%get3A_33, %get3A_34] : memref<1x256xf32, #tpu.memory_space<vmem>>, vector<1x256xf32>
    %add3A_36 = vector.broadcast %get3A_35 : vector<1x256xf32> to vector<1024x256xf32>
    %add3A_37 = arith.addf %dot_general3A_32, %add3A_36 : vector<1024x256xf32>
    %mul3A_38 = arith.constant 5.000000e-01 : f32
    %mul3A_39 = vector.broadcast %mul3A_38 : f32 to vector<1024x256xf32>
    %mul3A_40 = arith.mulf %mul3A_39, %add3A_37 : vector<1024x256xf32>
    %mul3A_41 = arith.constant 0.707106769 : f32
    %mul3A_42 = vector.broadcast %mul3A_41 : f32 to vector<1024x256xf32>
    %mul3A_43 = arith.mulf %add3A_37, %mul3A_42 : vector<1024x256xf32>
    %erf3A_44 = math.erf %mul3A_43 : vector<1024x256xf32>
    %add3A_45 = arith.constant 1.000000e+00 : f32
    %add3A_46 = vector.broadcast %add3A_45 : f32 to vector<1024x256xf32>
    %add3A_47 = arith.addf %add3A_46, %erf3A_44 : vector<1024x256xf32>
    %mul3A_48 = arith.mulf %mul3A_40, %add3A_47 : vector<1024x256xf32>
    %get3A_49 = arith.constant 0 : index
    %get3A_50 = arith.constant 0 : index
    %get3A_51 = vector.load %arg8[%get3A_49, %get3A_50] : memref<256x1xf32, #tpu.memory_space<vmem>>, vector<256x1xf32>
    %dot_general3A_52 = arith.constant dense<0.000000e+00> : vector<1024x1xf32>
    %dot_general3A_53 = tpu.matmul %mul3A_48, %get3A_51, %dot_general3A_52 {dimension_numbers = #tpu.dot_dimension_numbers<[1], [0], [0], [1], [0, 0, 1, 1], [], []>, transpose_lhs_hint = false} : vector<1024x256xf32>, vector<256x1xf32>, vector<1024x1xf32> -> vector<1024x1xf32>
    %get3A_54 = arith.constant 0 : index
    %get3A_55 = arith.constant 0 : index
    %get3A_56 = vector.load %arg9[%get3A_54, %get3A_55] : memref<1x1xf32, #tpu.memory_space<vmem>>, vector<1x1xf32>
    %add3A_57 = vector.broadcast %get3A_56 : vector<1x1xf32> to vector<1024x1xf32>
    %add3A_58 = arith.addf %dot_general3A_53, %add3A_57 : vector<1024x1xf32>
    %swap3A = arith.constant 0 : index
    %swap3A_59 = arith.constant 0 : index
    %swap3A_60 = vector.load %arg10[%swap3A, %swap3A_59] : memref<1024x1xf32, #tpu.memory_space<vmem>>, vector<1024x1xf32>
    tpu.vector_store %arg10[%swap3A, %swap3A_59], %add3A_58 {strides = array<i32>} : memref<1024x1xf32, #tpu.memory_space<vmem>>, vector<1024x1xf32>,
    return
  }
  func.func @transform_0(%arg0: i32) -> (i32, i32) {
    %c0_i32 = arith.constant 0 : i32
    %c0_i32_0 = arith.constant 0 : i32
    return %arg0, %c0_i32 : i32, i32
  }
  func.func @transform_1(%arg0: i32) -> (i32, i32) {
    %c0_i32 = arith.constant 0 : i32
    %c0_i32_0 = arith.constant 0 : i32
    return %arg0, %c0_i32 : i32, i32
  }
  func.func @transform_2(%arg0: i32) -> (i32, i32) {
    %c0_i32 = arith.constant 0 : i32
    %c0_i32_0 = arith.constant 0 : i32
    %c0_i32_1 = arith.constant 0 : i32
    return %c0_i32, %c0_i32_0 : i32, i32
  }
  func.func @transform_3(%arg0: i32) -> (i32, i32) {
    %c0_i32 = arith.constant 0 : i32
    %c0_i32_0 = arith.constant 0 : i32
    %c0_i32_1 = arith.constant 0 : i32
    return %c0_i32, %c0_i32_0 : i32, i32
  }
  func.func @transform_4(%arg0: i32) -> (i32, i32) {
    %c0_i32 = arith.constant 0 : i32
    %c0_i32_0 = arith.constant 0 : i32
    %c0_i32_1 = arith.constant 0 : i32
    return %c0_i32, %c0_i32_0 : i32, i32
  }
  func.func @transform_5(%arg0: i32) -> (i32, i32) {
    %c0_i32 = arith.constant 0 : i32
    %c0_i32_0 = arith.constant 0 : i32
    %c0_i32_1 = arith.constant 0 : i32
    return %c0_i32, %c0_i32_0 : i32, i32
  }
  func.func @transform_6(%arg0: i32) -> (i32, i32) {
    %c0_i32 = arith.constant 0 : i32
    %c0_i32_0 = arith.constant 0 : i32
    %c0_i32_1 = arith.constant 0 : i32
    return %c0_i32, %c0_i32_0 : i32, i32
  }
  func.func @transform_7(%arg0: i32) -> (i32, i32) {
    %c0_i32 = arith.constant 0 : i32
    %c0_i32_0 = arith.constant 0 : i32
    %c0_i32_1 = arith.constant 0 : i32
    return %c0_i32, %c0_i32_0 : i32, i32
  }
  func.func @transform_8(%arg0: i32) -> (i32, i32) {
    %c0_i32 = arith.constant 0 : i32
    %c0_i32_0 = arith.constant 0 : i32
    %c0_i32_1 = arith.constant 0 : i32
    return %c0_i32, %c0_i32_0 : i32, i32
  }
  func.func @transform_9(%arg0: i32) -> (i32, i32) {
    %c0_i32 = arith.constant 0 : i32
    %c0_i32_0 = arith.constant 0 : i32
    return %arg0, %c0_i32 : i32, i32
  }
}

</mosaic_0001>

<sc_bundles>
// kernel: kernel.6.cloned.1.call-start
scs
__scs_entry_jumppad:
0x0: {  	(pc) =	sbr.rel $0x88, $3  }
0x1: {  	(tag) =	ssettag $0x0;
	lr =	simm.s32 $0x1  }
0x2: {  	[smem:$0x3F97] =	sst lr;
	_ =	strace $0xD0000000  }
0x3: {  	_ = 	snop  }
0x4: {  	_ = 	snop  }
0x5: {  	_ = 	snop  }
0x6: {  	_ = 	snop  }
0x7: {  	_ = 	snop  }
__scs_overlays_trampoline_lowered:
0x8: {  	[smem:$0x3FA6] =	sst s0  }
0x9: {  	[smem:$0x3FA7] =	sst s1  }
0xa: {  	[smem:$0x3FA8] =	sst s2  }
0xb: {  	[smem:$0x3FA9] =	sst s3  }
0xc: {  	[smem:$0x3FAA] =	sst s4  }
0xd: {  	[smem:$0x3FAB] =	sst s5  }
0xe: {  	[smem:$0x3FAC] =	sst s6  }
0xf: {  	[smem:$0x3FAD] =	sst s7  }
0x10: {  	[smem:$0x3FAE] =	sst s8  }
0x11: {  	[smem:$0x3FAF] =	sst s9;
	s0 =	simm.s32 @!p0 $0x0  }
0x12: {  	s1 =	sld [smem:$0x3F95];
	s0 =	simm.s32 @p0 $0x1  }
0x13: {  	[smem:$0x3FB0] =	sst s0;
	s0 =	simm.s32 @!p1 $0x0  }
0x14: {  	s2 =	sld [smem:$0x3F94];
	s0 =	simm.s32 @p1 $0x1  }
0x15: {  	[smem:$0x3FB1] =	sst s0;
	s0 =	simm.s32 @!p2 $0x0  }
0x16: {  	s3 =	sld [smem:$0x3FDB];
	s0 =	simm.s32 @p2 $0x1  }
0x17: {  	s4 =	simm.s32 $0x1BF5;
	[smem:$0x3FB3] =	sst s0  }
0x18: {  	s0 =	sld [smem:$0x3F96];
	_ =	swait.ge [sflag:s4], $0x0  }
0x19: {  	s7 =	sld [smem:$0x3F97]  }
0x1a: {  	s8 =	sadd.s32 $0xFFFFE003, lr  }
0x1b: {  	s9 =	sadd.s32 $0xFFFFFEF7, lr;
	s5 =	simm.s32 $0xFFFFFFFF;
	p2 =	slt.u32 s8, $0xFFFFF086  }
0x1c: {  	p1 =	slt.u32 s9, $0xF7A;
	s5 =	simm.s32 @!p2 $0x0  }
0x1d: {  	s5 =	simm.s32 @p1 $0x1;
	p0 =	seq.s32 s7, s2  }
0x1e: {  	s7 =	smul.u32 @!p0 $0xF7A, s2;
	p2 =	seq.s32 @!p0 s5, $0x0  }
0x1f: {  	s9 =	smul.u32 $0xF7A, s1;
	s8 =	simm.s32 @!p0 $0x1BF5;
	p2 =	por !p2, p0  }
0x20: {  	[sflag:s8] =	ssyncset.s32 @!p0 $0xFFFFF086;
	s6 =	sadd.s32 @!p0 s3, s7;
	s7 =	simm.s32 @!p0 $0x108  }
0x21: {  	s3 =	sadd.s32 s3, s9;
	s6 =	sadd.s32 @!p0 $0x88, s6;
	s7 =	simm.s32 @p2 $0x1082  }
0x22: {  	[simem:s7], [sflag:s8] =	dma.local @!p0 [hbm:s6], $0xF7A  }
0x23: {  	s9 =	sor.u32 $0xD0000000, s2;
	s6 =	simm.s32 $0x108;
	_ =	swait.ge @!p0 [sflag:s8], $0x0  }
0x24: {  	s3 =	sadd.s32 $0x88, s3;
	s6 =	simm.s32 @!p1 $0x1082;
	[sflag:s4] =	ssyncset.s32 $0xFFFFF086  }
0x25: {  	[simem:s6], [sflag:s4] =	dma.local [hbm:s3], $0xF7A  }
0x26: {  	[smem:$0x3F97] =	sst s1;
	(tag) =	ssettag s2;
	_ =	strace s9  }
0x27: {  	s1 =	sld [smem:$0x3FA7]  }
0x28: {  	s2 =	sld [smem:$0x3FA8]  }
0x29: {  	s4 =	sld [smem:$0x3FAA]  }
0x2a: {  	p0 =	seq.s32 s5, $0x0;
	s5 =	sld [smem:$0x3FAB]  }
0x2b: {  	s6 =	sld [smem:$0x3FAC]  }
0x2c: {  	s7 =	sld [smem:$0x3FAD]  }
0x2d: {  	s3 =	simm.s32 $0x108;
	s8 =	sld [smem:$0x3FAE]  }
0x2e: {  	s3 =	simm.s32 @!p0 $0x1082;
	s9 =	sld [smem:$0x3FAF]  }
0x2f: {  	lr =	sadd.s32 s0, s3;
	s0 =	sld [smem:$0x3FA6]  }
0x30: {  	s3 =	sld [smem:$0x3FA9]  }
0x31: {  	[smem:$0x3FB2] =	sst s10  }
0x32: {  	s10 =	sld [smem:$0x3FB0];
	_ =	sdelay $0x3  }
0x33: {  	p0 =	seq.s32 s10, $0x1;
	s10 =	sld [smem:$0x3FB2];
	_ =	sdelay $0x3  }
0x34: {  	[smem:$0x3FB2] =	sst s10  }
0x35: {  	s10 =	sld [smem:$0x3FB1];
	_ =	sdelay $0x3  }
0x36: {  	p1 =	seq.s32 s10, $0x1;
	s10 =	sld [smem:$0x3FB2];
	_ =	sdelay $0x3  }
0x37: {  	[smem:$0x3FB2] =	sst s10  }
0x38: {  	s10 =	sld [smem:$0x3FB3]  }
0x39: {  	_ = 	snop;
	(pc) =	sbr.ind lr, $3  }
0x3a: {  	_ = 	snop  }
0x3b: {  	_ = 	snop  }
0x3c: {  	p2 =	seq.s32 s10, $0x1;
	s10 =	sld [smem:$0x3FB2]  }
0x3d: {  	_ =	shalt  }
0x3e: {  	_ =	shalt  }
0x3f: {  	_ =	shalt  }
0x40: {  	_ =	shalt  }
0x41: {  	_ =	shalt  }
0x42: {  	_ =	shalt  }
0x43: {  	_ =	shalt  }
0x44: {  	_ =	shalt  }
0x45: {  	_ =	shalt  }
0x46: {  	_ =	shalt  }
0x47: {  	_ =	shalt  }
0x48: {  	_ =	shalt  }
0x49: {  	_ =	shalt  }
0x4a: {  	_ =	shalt  }
0x4b: {  	_ =	shalt  }
0x4c: {  	_ =	shalt  }
0x4d: {  	_ =	shalt  }
0x4e: {  	_ =	shalt  }
0x4f: {  	_ =	shalt  }
0x50: {  	_ =	shalt  }
0x51: {  	_ =	shalt  }
0x52: {  	_ =	shalt  }
0x53: {  	_ =	shalt  }
0x54: {  	_ =	shalt  }
0x55: {  	_ =	shalt  }
0x56: {  	_ =	shalt  }
0x57: {  	_ =	shalt  }
0x58: {  	_ =	shalt  }
0x59: {  	_ =	shalt  }
0x5a: {  	_ =	shalt  }
0x5b: {  	_ =	shalt  }
0x5c: {  	_ =	shalt  }
0x5d: {  	_ =	shalt  }
0x5e: {  	_ =	shalt  }
0x5f: {  	_ =	shalt  }
0x60: {  	_ =	shalt  }
0x61: {  	_ =	shalt  }
0x62: {  	_ =	shalt  }
0x63: {  	_ =	shalt  }
0x64: {  	_ =	shalt  }
0x65: {  	_ =	shalt  }
0x66: {  	_ =	shalt  }
0x67: {  	_ =	shalt  }
0x68: {  	_ =	shalt  }
0x69: {  	_ =	shalt  }
0x6a: {  	_ =	shalt  }
0x6b: {  	_ =	shalt  }
0x6c: {  	_ =	shalt  }
0x6d: {  	_ =	shalt  }
0x6e: {  	_ =	shalt  }
0x6f: {  	_ =	shalt  }
0x70: {  	_ =	shalt  }
0x71: {  	_ =	shalt  }
0x72: {  	_ =	shalt  }
0x73: {  	_ =	shalt  }
0x74: {  	_ =	shalt  }
0x75: {  	_ =	shalt  }
0x76: {  	_ =	shalt  }
0x77: {  	_ =	shalt  }
0x78: {  	_ =	shalt  }
0x79: {  	_ =	shalt  }
0x7a: {  	_ =	shalt  }
0x7b: {  	_ =	shalt  }
0x7c: {  	_ =	shalt  }
0x7d: {  	_ =	shalt  }
0x7e: {  	_ =	shalt  }
0x7f: {  	_ =	shalt  }
0x80: {  	_ =	shalt  }
0x81: {  	_ =	shalt  }
0x82: {  	_ =	shalt  }
0x83: {  	_ =	shalt  }
0x84: {  	_ =	shalt  }
0x85: {  	_ =	shalt  }
0x86: {  	_ =	shalt  }
0x87: {  	_ =	shalt  }
.Lfunc_end0:
.L_simem_size_0:
called_computation_lowered:
.L_overlay_start_0:
0x88: {  	s2 =	sld [smem:$0x3FD9]  }
0x89: {  	s3 =	sld [smem:$0x3FFE];
	_ =	sdelay $0x1  }
0x8a: {  	s1 =	srdreg.scid  }
0x8b: {  	s0 =	sand.u32 $0x1, s1  }
0x8c: {  	s17 =	sshll.u32 s0, $0xA;
	s2 =	sadd.s32 s3, s2  }
0x8d: {  	s2 =	sadd.s32 s2, s17  }
0x8e: {  	[smem:$0x3FBE] =	sst s2  }
0x8f: {  	_ = 	snop  }
0x90: {  	s18 =	sld [smem:$0x3FD0];
	(tm) =	ssettm $0x1  }
0x91: {  	s19 =	sld [smem:$0x3FFB];
	_ =	sdelay $0x3  }
0x92: {  	_ =	strace s19  }
0x93: {  	s2 =	sld [smem:$0x3FFC];
	_ =	sdelay $0x3  }
0x94: {  	_ =	strace s2  }
0x95: {  	s2 =	sld [smem:$0x3FFD];
	_ =	sdelay $0x3  }
0x96: {  	_ =	strace s2  }
0x97: {  	_ =	strace $0x8FFFFFFF  }
0x98: {  	s20 =	sld [smem:$0x3FDB];
	_ =	sdelay $0x1  }
0x99: {  	s4 =	simm.s32 $_scs_section_size  }
0x9a: {  	s5 =	simm.s32 $_size__tile_overlayer_lowered;
	s6 =	simm.s32 $_tile_overlayer_lowered  }
0x9b: {  	s7 =	simm.s32 $0x1BFF;
	s21 =	sshll.u32 s6, $0x1;
	s4 =	sadd.s32 s4, s20  }
0x9c: {  	s22 =	simm.s32 $0x0;
	s5 =	sshll.u32 s5, $0x1;
	s6 =	sadd.s32 s21, s4  }
0x9d: {  	[timem:s22], [sflag:s7] =	dma.local [hbm:s6], s5  }
0x9e: {  	_ =	swait.ge [sflag:s7], s5  }
0x9f: {  	s5 =	ssub.s32 $0x0, s5;
	[sflag:s7] =	ssyncset.done $0x0  }
0xa0: {  	[sflag:s7] =	ssyncadd.s32 s5;
	_ =	sdelay $0x1  }
0xa1: {  	s23 =	simm.s32 $0x1B8B  }
0xa2: {  	_ =	swait.ge [sflag:s23], $0x1  }
0xa3: {  	[sflag:s23] =	ssyncset.done $0x0  }
0xa4: {  	[sflag:s23] =	ssyncadd.s32 $0xFFFFFFFF  }
0xa5: {  	s5 =	sld [smem:$0x0]  }
0xa6: {  	s6 =	sand.u32 $0xFFFFFFFE, s1  }
0xa7: {  	p0 =	sne.s32 s1, s6  }
0xa8: {  	s6 =	sshll.u32 @p0 s6, $0xE  }
0xa9: {  	s6 =	sadd.s32 @p0 $0x11B8D, s6;
	s7 =	sshll.u32 @p0 s5, $0x11  }
0xaa: {  	s6 =	sor.u32 @p0 s7, s6  }
0xab: {  	[sflag:s6] =	ssyncadd.remote.s32 @p0 $0x1;
	_ =	sdelay $0x1  }
0xac: {  	s6 =	simm.s32 @p0 $0x1B8D  }
0xad: {  	_ =	swait.eq @p0 [sflag:s6], $0x1  }
0xae: {  	[sflag:s6] =	ssyncadd.s32 @p0 $0xFFFFFFFF  }
0xaf: {  	s7 =	sshll.u32 @!p0 s1, $0xE  }
0xb0: {  	s7 =	sor.u32 @!p0 $0x4000, s7;
	s6 =	simm.s32 @!p0 $0x1B8D  }
0xb1: {  	s5 =	sshll.u32 @!p0 s5, $0x11;
	s7 =	sadd.s32 @!p0 $0x11B8D, s7;
	_ =	swait.eq @!p0 [sflag:s6], $0x1  }
0xb2: {  	s5 =	sor.u32 @!p0 s5, s7;
	[sflag:s6] =	ssyncadd.s32 @!p0 $0xFFFFFFFF  }
0xb3: {  	s25 =	simm.s32 $0x1B8E;
	s24 =	sld [smem:$0x3FFE];
	[sflag:s5] =	ssyncadd.remote.s32 @!p0 $0x1  }
0xb4: {  	s26 =	simm.s32 $execute0_lowered;
	[smem:$0x3FD2] =	sst s25  }
0xb5: {  	s6 =	sshll.u32 s26, $0x1;
	_ =	strace $0x80000049;
	[dreg:$0x1] =	wrdreg $0xFFFFFFFF  }
0xb6: {  	s28 =	simm.s32 $_size_execute0_lowered;
	s4 =	sadd.s32 s4, s6;
	[dreg:$0x0] =	wrdreg $0x0  }
0xb7: {  	s6 =	sshll.u32 s28, $0x1;
	[dreg:$0x2] =	wrdreg s4  }
0xb8: {  	[dreg:$0x3] =	wrdreg s6  }
0xb9: {  	[dreg:$0x4] =	wrdreg $0xC0  }
0xba: {  	_ =	task [dreg:s22], $0x5FFFF  }
0xbb: {  	[dreg:$0x1] =	wrdreg $0xFFFFFFFF  }
0xbc: {  	[dreg:$0x0] =	wrdreg $0x60  }
0xbd: {  	[dreg:$0x2] =	wrdreg s24  }
0xbe: {  	[dreg:$0x3] =	wrdreg s18  }
0xbf: {  	[dreg:$0x4] =	wrdreg $0x9  }
0xc0: {  	_ =	task.clear_ibuf [dreg:s22], $0x5FFFF;
	_ =	strace $0x90000049  }
0xc1: {  	s29 =	simm.s32 $0x9;
	_ =	strace $0x8000004B  }
0xc2: {  	_ =	swait.ge [sflag:s29], $0x1  }
0xc3: {  	[sflag:s29] =	ssyncadd.s32 $0xFFFFFFFF  }
0xc4: {  	_ =	strace $0x9000004B  }
0xc5: {  	_ =	sfence  }
0xc6: {  	s30 =	sld [smem:$0x0];
	_ =	sdelay $0x2  }
0xc7: {  	s31 =	sshll.u32 s1, $0xD;
	s1 =	sshrl.u32 s1, $0x2  }
0xc8: {  	s4 =	sand.u32 $0x4000, s31;
	s1 =	sadd.s32 s1, s30  }
0xc9: {  	s0 =	sor.u32 s4, s0;
	s1 =	sshll.u32 s1, $0x11  }
0xca: {  	s0 =	sor.u32 s1, s0  }
0xcb: {  	s0 =	sadd.s32 $0x8F2B, s0  }
0xcc: {  	[sflag:s0] =	ssyncadd.remote.s32 $0x1  }
0xcd: {  	_ =	sfence.sel $0xFFFF  }
0xce: {  	[dreg:$0x0] =	wrdreg $0xFFFFFFFF;
	(pc) =	sbr.abs _section_cstart, $3  }
0xcf: {  	[dreg:$0x1] =	wrdreg $0xFFFFFFFF  }
0xd0: {  	_ =	task.clear_ibuf [dreg:s22], $0x2FFFF;
	_ =	strace $0x9FFFFFFF  }
0xd1: {  	(tm) =	ssettm $0x7FFFFFFF  }
tec
execute0_lowered:
.L_overlay_start_1:
0x0: {  	(tag) =	ssettag $0x1  }
0x1: {  	s5 =	rddreg [dreg:$0x0]  }
0x2: {  	s6 =	rddreg [dreg:$0x1]  }
0x3: {  	s0 =	rddreg [dreg:$0x2]  }
0x4: {  	s2 =	simm.s32 $0x0;
	s3 =	srdreg.scid;
	s1 =	stileid.u32  }
0x5: {  	s14 =	simm.s32 $0x1;
	s15 =	simm.s32 $0x2;
	s16 =	simm.s32 $0x200  }
0x6: {  	s17 =	simm.s32 $0x4200;
	s18 =	simm.s32 $0x0;
	[smem:$0x7FF] =	sst s2  }
0x7: {  	s7 =	sand.u32 $0x1, s3;
	s3 =	sadd.s32 $0x2A00, s5;
	s11 =	sadd.s32 $0x110C400, s5  }
0x8: {  	s4 =	sshll.u32 s1, $0x1;
	s13 =	sadd.s32 $0x112C400, s5;
	_ =	strace $0x8000004A  }
0x9: {  	s8 =	sor.u32 s7, s4;
	s4 =	sadd.s32 $0x189400, s5;
	s7 =	ssub.s32 $0x2, s7  }
0xa: {  	s9 =	sshll.u32 s8, $0x5;
	s12 =	sshrl.u32 s7, $0x1;
	s8 =	sshll.u32 s8, $0xC  }
0xb: {  	s10 =	sadd.s32 s9, s5;
	s12 =	ssub.s32 s7, s12;
	s6 =	sadd.s32 s6, s9  }
0xc: {  	s31 =	sor.u32 $0x800, s8;
	s7 =	sadd.s32 s11, s8;
	s8 =	sadd.s32 s13, s8  }
0xd: {  	s5 =	sadd.s32 $0x10CC000, s10;
	s9 =	sadd.s32 s11, s31;
	s10 =	sadd.s32 s13, s31  }
0xe: {  	v0 =	vlaneseq.u32;
	s11 =	smax.u32 s12, $0x1;
	s12 =	simm.s32 $0x3;
	s13 =	simm.s32 $0x100  }
.LBB2_1:
0xf: {  	[tilespmem:s2], [sflag:$0x3] =	stream.linear.gather [hbm4b:s5+s2], $0x100, $0x38;
	[tilespmem:$0x8200] =	vst v63  }
0x10: {  	_ =	swait.ge [sflag:s12], $0x100  }
0x11: {  	[sflag:s12] =	ssyncset.done $0x0  }
0x12: {  	[sflag:s12] =	ssyncadd.s32 $0xFFFFFF00  }
0x13: {  	[tilespmem:s13], [sflag:$0x3] =	stream.linear.gather [hbm4b:s6+s2], $0x100, $0x38;
	[tilespmem:$0x8200] =	vst v63  }
0x14: {  	_ =	swait.ge [sflag:s12], $0x100  }
0x15: {  	[sflag:s12] =	ssyncset.done $0x0  }
0x16: {  	s19 =	sand.u32 $0x70, s2;
	[sflag:s12] =	ssyncadd.s32 $0xFFFFFF00  }
0x17: {  	v1 =	vld [tilespmem:s19+$0x0]  }
0x18: {  	v2 =	vld [tilespmem:s19+$0x100];
	_ =	sdelay $0x1  }
0x19: {  	s29 =	sand.u32 $0xF, s2  }
0x1a: {  	v3 =	vmov s29  }
0x1b: {  	vm0 =	veq.s32 v3, v0;
	v1 =	vxor.u32 $0x80000000, v1  }
0x1c: {  	v2 =	vxor.u32 $0x80000000, v2;
	v1 =	vnsel vm0, $0x80000000, v1  }
0x1d: {  	(xrf0) =	vmax.scan.msk.u32 $0xffff, v1;
	v1 =	vnsel vm0, $0x80000000, v2  }
0x1e: {  	(xrf0) =	vmax.scan.msk.u32 $0xffff, v1;
	_ =	sdelay $0x4  }
0x1f: {  	v1, _, _ =	vpop (xrf0)  }
0x20: {  	(v2sf) =	vpush v1, $0xF;
	v1, _, _ =	vpop (xrf0)  }
0x21: {  	(v2sf) =	vpush v1, $0xF;
	_ =	sdelay $0xd  }
0x22: {  	s30 =	spop (v2sf)  }
0x23: {  	s19 =	sshll.u32 s30, $0x4;
	s20 =	spop (v2sf)  }
0x24: {  	s19 =	sand.u32 $0x1FFFFFF0, s19;
	s20 =	sshll.u32 s20, $0x4  }
0x25: {  	p1 =	por $0x1, $0x1;
	s19 =	sadd.s32 s3, s19;
	s31 =	sand.u32 $0x1FFFFFF0, s20  }
0x26: {  	[tilespmem:s16], [sflag:$0x1] =	stream.linear.gather [hbm4b:s19+s2], $0x80, $0x38;
	[tilespmem:$0x8200] =	vst v63  }
0x27: {  	s20 =	simm.s32 @!p1 $0x1;
	s19 =	sadd.s32 s4, s31  }
0x28: {  	[tilespmem:s17], [sflag:$0x2] =	stream.linear.gather [hbm4b:s19+s2], $0x80, $0x38;
	[tilespmem:$0x8200] =	vst v63  }
0x29: {  	_ =	swait.ge @!p1 [sflag:s20], $0x80  }
0x2a: {  	[sflag:s20] =	ssyncset.done @!p1 $0x0  }
0x2b: {  	s21 =	simm.s32 $0x200;
	s23 =	simm.s32 @!p1 $0x2;
	[sflag:s20] =	ssyncadd.s32 @!p1 $0xFFFFFF80  }
0x2c: {  	s19 =	simm.s32 $0x1;
	s20 =	simm.s32 $0x4280;
	_ =	swait.ge @!p1 [sflag:s23], $0x80  }
.LBB2_2:
0x2d: {  	[sflag:s23] =	ssyncset.done @!p1 $0x0  }
0x2e: {  	s21 =	sadd.s32 $0x80, s21;
	s22 =	smov.u32 s19;
	s19 =	sadd.s32 $0x1, s19  }
0x2f: {  	s24 =	sand.u32 $0x70, s22;
	p0 =	sne.s32 s19, $0x80;
	[sflag:s23] =	ssyncadd.s32 @!p1 $0xFFFFFF80  }
0x30: {  	v1 =	vld [tilespmem:s24+$0x0];
	_ =	sdelay $0x1  }
0x31: {  	v2 =	vld [tilespmem:s24+$0x100]  }
0x32: {  	s23 =	sand.u32 $0xF, s22  }
0x33: {  	v3 =	vmov s23  }
0x34: {  	vm0 =	veq.s32 v3, v0;
	v1 =	vxor.u32 $0x80000000, v1  }
0x35: {  	v1 =	vnsel vm0, $0x80000000, v1  }
0x36: {  	v2 =	vxor.u32 $0x80000000, v2;
	(xrf0) =	vmax.scan.msk.u32 $0xffff, v1  }
0x37: {  	v1 =	vnsel vm0, $0x80000000, v2  }
0x38: {  	(xrf0) =	vmax.scan.msk.u32 $0xffff, v1;
	_ =	sdelay $0x3  }
0x39: {  	v1, _, _ =	vpop (xrf0)  }
0x3a: {  	(v2sf) =	vpush v1, $0xF  }
0x3b: {  	v1, _, _ =	vpop (xrf0)  }
0x3c: {  	(v2sf) =	vpush v1, $0xF;
	_ =	sdelay $0xc  }
0x3d: {  	s23 =	spop (v2sf)  }
0x3e: {  	s23 =	sshll.u32 s23, $0x4  }
0x3f: {  	s23 =	sand.u32 $0x1FFFFFF0, s23;
	s24 =	spop (v2sf)  }
0x40: {  	s23 =	sadd.s32 s3, s23;
	s24 =	sshll.u32 s24, $0x4  }
0x41: {  	[tilespmem:s21], [sflag:$0x1] =	stream.linear.gather [hbm4b:s23+s2], $0x80, $0x38;
	[tilespmem:$0x8200] =	vst v63  }
0x42: {  	p1 =	slt.u32 s22, $0x18;
	s23 =	sand.u32 $0x1FFFFFF0, s24  }
0x43: {  	s24 =	simm.s32 @!p1 $0x1;
	s22 =	sadd.s32 s4, s23  }
0x44: {  	[tilespmem:s20], [sflag:$0x2] =	stream.linear.gather [hbm4b:s22+s2], $0x80, $0x38;
	[tilespmem:$0x8200] =	vst v63  }
.Ltmp0:
0x45: {  	_ = 	snop;
	(pc) =	sbr.rel @p0 .LBB2_2-.Ltmp0, $4  }
0x46: {  	_ =	swait.ge @!p1 [sflag:s24], $0x80  }
0x47: {  	s23 =	simm.s32 @!p1 $0x2;
	[sflag:s24] =	ssyncset.done @!p1 $0x0  }
0x48: {  	[sflag:s24] =	ssyncadd.s32 @!p1 $0xFFFFFF80  }
0x49: {  	s20 =	sadd.s32 $0x80, s20;
	_ =	swait.ge @!p1 [sflag:s23], $0x80  }
0x4a: {  	[sflag:s23] =	ssyncset.done @!p1 $0x0  }
0x4b: {  	[sflag:s23] =	ssyncadd.s32 @!p1 $0xFFFFFF80  }
0x4c: {  	_ =	swait.ge [sflag:s14], $0x80  }
0x4d: {  	[sflag:s14] =	ssyncset.done $0x0  }
0x4e: {  	[sflag:s14] =	ssyncadd.s32 $0xFFFFFF80  }
0x4f: {  	_ =	swait.ge [sflag:s15], $0x80  }
0x50: {  	s19 =	simm.s32 $0x17;
	[sflag:s15] =	ssyncset.done $0x0  }
.LBB2_4:
0x51: {  	p0 =	sne.s32 s19, $0x1;
	s19 =	sadd.s32 $0xFFFFFFFF, s19;
	[sflag:s15] =	ssyncadd.s32 $0xFFFFFF80  }
.Ltmp1:
0x52: {  	_ =	swait.ge [sflag:s14], $0x80;
	(pc) =	sbr.rel @p0 .LBB2_4-.Ltmp1, $4  }
0x53: {  	[sflag:s14] =	ssyncset.done $0x0  }
0x54: {  	[sflag:s14] =	ssyncadd.s32 $0xFFFFFF80  }
0x55: {  	_ =	swait.ge [sflag:s15], $0x80  }
0x56: {  	[sflag:s15] =	ssyncset.done $0x0  }
0x57: {  	[sflag:s15] =	ssyncadd.s32 $0xFFFFFF80;
	s20 =	simm.s32 $0x0;
	s19 =	simm.s32 $0x200  }
0x58: {  	[hbm4b:s7+s20] =	stream.linear.scatter [tilespmem:s19], [sflag:$0x3], $0x4000, $0x38;
	[tilespmem:$0x8200] =	vst v63  }
0x59: {  	_ =	swait.ge [sflag:s12], $0x4000  }
0x5a: {  	[sflag:s12] =	ssyncset.done $0x0  }
0x5b: {  	s21 =	simm.s32 $0x4200;
	[sflag:s12] =	ssyncadd.s32 $0xFFFFC000  }
0x5c: {  	[hbm4b:s8+s20] =	stream.linear.scatter [tilespmem:s21], [sflag:$0x3], $0x4000, $0x38;
	[tilespmem:$0x8200] =	vst v63  }
0x5d: {  	_ =	swait.ge [sflag:s12], $0x4000  }
0x5e: {  	[sflag:s12] =	ssyncset.done $0x0  }
0x5f: {  	s22 =	sand.u32 $0x70, s20;
	[sflag:s12] =	ssyncadd.s32 $0xFFFFC000  }
0x60: {  	v1 =	vld [tilespmem:s22+$0x80]  }
0x61: {  	v2 =	vld [tilespmem:s22+$0x180];
	_ =	sdelay $0x1  }
0x62: {  	s20 =	sand.u32 $0xF, s20  }
0x63: {  	v3 =	vmov s20  }
0x64: {  	vm0 =	veq.s32 v3, v0;
	v1 =	vxor.u32 $0x80000000, v1  }
0x65: {  	v2 =	vxor.u32 $0x80000000, v2;
	v1 =	vnsel vm0, $0x80000000, v1  }
0x66: {  	(xrf0) =	vmax.scan.msk.u32 $0xffff, v1;
	v1 =	vnsel vm0, $0x80000000, v2  }
0x67: {  	(xrf0) =	vmax.scan.msk.u32 $0xffff, v1;
	_ =	sdelay $0x4  }
0x68: {  	v1, _, _ =	vpop (xrf0)  }
0x69: {  	(v2sf) =	vpush v1, $0xF;
	v1, _, _ =	vpop (xrf0)  }
0x6a: {  	(v2sf) =	vpush v1, $0xF;
	_ =	sdelay $0xd  }
0x6b: {  	s29 =	spop (v2sf)  }
0x6c: {  	s20 =	sshll.u32 s29, $0x4;
	s30 =	spop (v2sf)  }
0x6d: {  	s20 =	sand.u32 $0x1FFFFFF0, s20;
	s22 =	sshll.u32 s30, $0x4  }
0x6e: {  	p1 =	por $0x1, $0x1;
	s20 =	sadd.s32 s3, s20;
	s31 =	sand.u32 $0x1FFFFFF0, s22  }
0x6f: {  	[tilespmem:s19], [sflag:$0x1] =	stream.linear.gather [hbm4b:s20+s2], $0x80, $0x38;
	[tilespmem:$0x8200] =	vst v63  }
0x70: {  	s22 =	simm.s32 @!p1 $0x1;
	s20 =	sadd.s32 s4, s31  }
0x71: {  	[tilespmem:s21], [sflag:$0x2] =	stream.linear.gather [hbm4b:s20+s2], $0x80, $0x38;
	[tilespmem:$0x8200] =	vst v63  }
0x72: {  	_ =	swait.ge @!p1 [sflag:s22], $0x80  }
0x73: {  	[sflag:s22] =	ssyncset.done @!p1 $0x0  }
0x74: {  	s23 =	simm.s32 @!p1 $0x2;
	[sflag:s22] =	ssyncadd.s32 @!p1 $0xFFFFFF80  }
0x75: {  	s20 =	simm.s32 $0x1;
	s21 =	simm.s32 $0x4280;
	_ =	swait.ge @!p1 [sflag:s23], $0x80  }
.LBB2_6:
0x76: {  	[sflag:s23] =	ssyncset.done @!p1 $0x0  }
0x77: {  	s19 =	sadd.s32 $0x80, s19;
	s22 =	smov.u32 s20;
	s20 =	sadd.s32 $0x1, s20  }
0x78: {  	s24 =	sand.u32 $0x70, s22;
	p0 =	sne.s32 s20, $0x80;
	[sflag:s23] =	ssyncadd.s32 @!p1 $0xFFFFFF80  }
0x79: {  	v1 =	vld [tilespmem:s24+$0x80];
	_ =	sdelay $0x1  }
0x7a: {  	v2 =	vld [tilespmem:s24+$0x180]  }
0x7b: {  	s23 =	sand.u32 $0xF, s22  }
0x7c: {  	v3 =	vmov s23  }
0x7d: {  	vm0 =	veq.s32 v3, v0;
	v1 =	vxor.u32 $0x80000000, v1  }
0x7e: {  	v1 =	vnsel vm0, $0x80000000, v1  }
0x7f: {  	v2 =	vxor.u32 $0x80000000, v2;
	(xrf0) =	vmax.scan.msk.u32 $0xffff, v1  }
0x80: {  	v1 =	vnsel vm0, $0x80000000, v2  }
0x81: {  	(xrf0) =	vmax.scan.msk.u32 $0xffff, v1;
	_ =	sdelay $0x3  }
0x82: {  	v1, _, _ =	vpop (xrf0)  }
0x83: {  	(v2sf) =	vpush v1, $0xF  }
0x84: {  	v1, _, _ =	vpop (xrf0)  }
0x85: {  	(v2sf) =	vpush v1, $0xF;
	_ =	sdelay $0xc  }
0x86: {  	s23 =	spop (v2sf)  }
0x87: {  	s23 =	sshll.u32 s23, $0x4  }
0x88: {  	s23 =	sand.u32 $0x1FFFFFF0, s23;
	s24 =	spop (v2sf)  }
0x89: {  	s23 =	sadd.s32 s3, s23;
	s24 =	sshll.u32 s24, $0x4  }
0x8a: {  	[tilespmem:s19], [sflag:$0x1] =	stream.linear.gather [hbm4b:s23+s2], $0x80, $0x38;
	[tilespmem:$0x8200] =	vst v63  }
0x8b: {  	p1 =	slt.u32 s22, $0x18;
	s23 =	sand.u32 $0x1FFFFFF0, s24  }
0x8c: {  	s24 =	simm.s32 @!p1 $0x1;
	s22 =	sadd.s32 s4, s23  }
0x8d: {  	[tilespmem:s21], [sflag:$0x2] =	stream.linear.gather [hbm4b:s22+s2], $0x80, $0x38;
	[tilespmem:$0x8200] =	vst v63  }
.Ltmp2:
0x8e: {  	_ = 	snop;
	(pc) =	sbr.rel @p0 .LBB2_6-.Ltmp2, $4  }
0x8f: {  	_ =	swait.ge @!p1 [sflag:s24], $0x80  }
0x90: {  	s23 =	simm.s32 @!p1 $0x2;
	[sflag:s24] =	ssyncset.done @!p1 $0x0  }
0x91: {  	[sflag:s24] =	ssyncadd.s32 @!p1 $0xFFFFFF80  }
0x92: {  	s21 =	sadd.s32 $0x80, s21;
	_ =	swait.ge @!p1 [sflag:s23], $0x80  }
0x93: {  	[sflag:s23] =	ssyncset.done @!p1 $0x0  }
0x94: {  	[sflag:s23] =	ssyncadd.s32 @!p1 $0xFFFFFF80  }
0x95: {  	_ =	swait.ge [sflag:s14], $0x80  }
0x96: {  	[sflag:s14] =	ssyncset.done $0x0  }
0x97: {  	[sflag:s14] =	ssyncadd.s32 $0xFFFFFF80  }
0x98: {  	_ =	swait.ge [sflag:s15], $0x80  }
0x99: {  	s19 =	simm.s32 $0x17;
	[sflag:s15] =	ssyncset.done $0x0  }
.LBB2_8:
0x9a: {  	p0 =	sne.s32 s19, $0x1;
	s19 =	sadd.s32 $0xFFFFFFFF, s19;
	[sflag:s15] =	ssyncadd.s32 $0xFFFFFF80  }
.Ltmp3:
0x9b: {  	_ =	swait.ge [sflag:s14], $0x80;
	(pc) =	sbr.rel @p0 .LBB2_8-.Ltmp3, $4  }
0x9c: {  	[sflag:s14] =	ssyncset.done $0x0  }
0x9d: {  	[sflag:s14] =	ssyncadd.s32 $0xFFFFFF80  }
0x9e: {  	_ =	swait.ge [sflag:s15], $0x80  }
0x9f: {  	[sflag:s15] =	ssyncset.done $0x0  }
0xa0: {  	[sflag:s15] =	ssyncadd.s32 $0xFFFFFF80  }
0xa1: {  	[hbm4b:s9+s2] =	stream.linear.scatter [tilespmem:s16], [sflag:$0x3], $0x4000, $0x38;
	[tilespmem:$0x8200] =	vst v63  }
0xa2: {  	s18 =	sadd.s32 $0x1, s18;
	_ =	swait.ge [sflag:s12], $0x4000  }
0xa3: {  	p0 =	sne.s32 s18, s11;
	[sflag:s12] =	ssyncset.done $0x0  }
.Ltmp4:
0xa4: {  	[sflag:s12] =	ssyncadd.s32 $0xFFFFC000;
	(pc) =	sbr.rel @p0 .LBB2_1-.Ltmp4, $4  }
0xa5: {  	[hbm4b:s10+s2] =	stream.linear.scatter [tilespmem:s17], [sflag:$0x3], $0x4000, $0x38;
	[tilespmem:$0x8200] =	vst v63  }
0xa6: {  	_ =	swait.ge [sflag:s12], $0x4000  }
0xa7: {  	[sflag:s12] =	ssyncset.done $0x0  }
0xa8: {  	[sflag:s12] =	ssyncadd.s32 $0xFFFFC000  }
0xa9: {  	_ =	sfence.sel $0x180000  }
0xaa: {  	[bflag:$0x0] =	sbarrier.arrive $0xFFFF  }
0xab: {  	p0 =	sne.s32 s1, $0x0;
	_ =	strace $0x9000004A  }
0xac: {  	s0 =	sadd.s32 @!p0 $0x100000, s0;
	[bflag:$0x2] =	sbarrier.arrive $0xFFFF  }
0xad: {  	[sflag:s0] =	ssyncadd.tile.s32 @!p0 $0x1;
	_ =	shalt  }
.Lfunc_end2:
_tile_overlayer_lowered:
.L_overlay_start_2:
0xae: {  	(tag) =	ssettag $0x2  }
0xaf: {  	s0 =	rddreg [dreg:$0x0];
	s2 =	stileid.u32  }
0xb0: {  	s1 =	rddreg [dreg:$0x1];
	p0 =	sne.s32 s2, $0x0  }
0xb1: {  	s3 =	rddreg [dreg:$0x2];
	[bflag:$0x3] =	sbarrier.arrive $0xFFFF;
	s2 =	simm.s32 @!p0 $0x1C03  }
0xb2: {  	[timem:s3], [sflag:s2] =	dma.local @!p0 [hbm:s0], s1  }
0xb3: {  	s0 =	simm.s32 @!p0 $0x3  }
0xb4: {  	_ =	swait.ge @!p0 [sflag:s0], s1  }
0xb5: {  	s1 =	ssub.s32 @!p0 $0x0, s1;
	[sflag:s0] =	ssyncset.done @!p0 $0x0  }
0xb6: {  	[sflag:s0] =	ssyncadd.s32 @!p0 s1  }
0xb7: {  	[bflag:$0x3] =	sbarrier.arrive $0xFFFF  }
0xb8: {  	_ =	shalt  }

// kernel: kernel.9.cloned.1.call-start
scs
__scs_entry_jumppad:
0x0: {  	(pc) =	sbr.rel $0x88, $3  }
0x1: {  	(tag) =	ssettag $0x0;
	lr =	simm.s32 $0x1  }
0x2: {  	[smem:$0x3F97] =	sst lr;
	_ =	strace $0xD0000000  }
0x3: {  	_ = 	snop  }
0x4: {  	_ = 	snop  }
0x5: {  	_ = 	snop  }
0x6: {  	_ = 	snop  }
0x7: {  	_ = 	snop  }
__scs_overlays_trampoline_lowered:
0x8: {  	[smem:$0x3FA6] =	sst s0  }
0x9: {  	[smem:$0x3FA7] =	sst s1  }
0xa: {  	[smem:$0x3FA8] =	sst s2  }
0xb: {  	[smem:$0x3FA9] =	sst s3  }
0xc: {  	[smem:$0x3FAA] =	sst s4  }
0xd: {  	[smem:$0x3FAB] =	sst s5  }
0xe: {  	[smem:$0x3FAC] =	sst s6  }
0xf: {  	[smem:$0x3FAD] =	sst s7  }
0x10: {  	[smem:$0x3FAE] =	sst s8  }
0x11: {  	[smem:$0x3FAF] =	sst s9;
	s0 =	simm.s32 @!p0 $0x0  }
0x12: {  	s1 =	sld [smem:$0x3F95];
	s0 =	simm.s32 @p0 $0x1  }
0x13: {  	[smem:$0x3FB0] =	sst s0;
	s0 =	simm.s32 @!p1 $0x0  }
0x14: {  	s2 =	sld [smem:$0x3F94];
	s0 =	simm.s32 @p1 $0x1  }
0x15: {  	[smem:$0x3FB1] =	sst s0;
	s0 =	simm.s32 @!p2 $0x0  }
0x16: {  	s3 =	sld [smem:$0x3FDB];
	s0 =	simm.s32 @p2 $0x1  }
0x17: {  	s4 =	simm.s32 $0x1BF5;
	[smem:$0x3FB3] =	sst s0  }
0x18: {  	s0 =	sld [smem:$0x3F96];
	_ =	swait.ge [sflag:s4], $0x0  }
0x19: {  	s7 =	sld [smem:$0x3F97]  }
0x1a: {  	s8 =	sadd.s32 $0xFFFFE003, lr  }
0x1b: {  	s9 =	sadd.s32 $0xFFFFFEF7, lr;
	s5 =	simm.s32 $0xFFFFFFFF;
	p2 =	slt.u32 s8, $0xFFFFF086  }
0x1c: {  	p1 =	slt.u32 s9, $0xF7A;
	s5 =	simm.s32 @!p2 $0x0  }
0x1d: {  	s5 =	simm.s32 @p1 $0x1;
	p0 =	seq.s32 s7, s2  }
0x1e: {  	s7 =	smul.u32 @!p0 $0xF7A, s2;
	p2 =	seq.s32 @!p0 s5, $0x0  }
0x1f: {  	s9 =	smul.u32 $0xF7A, s1;
	s8 =	simm.s32 @!p0 $0x1BF5;
	p2 =	por !p2, p0  }
0x20: {  	[sflag:s8] =	ssyncset.s32 @!p0 $0xFFFFF086;
	s6 =	sadd.s32 @!p0 s3, s7;
	s7 =	simm.s32 @!p0 $0x108  }
0x21: {  	s3 =	sadd.s32 s3, s9;
	s6 =	sadd.s32 @!p0 $0x88, s6;
	s7 =	simm.s32 @p2 $0x1082  }
0x22: {  	[simem:s7], [sflag:s8] =	dma.local @!p0 [hbm:s6], $0xF7A  }
0x23: {  	s9 =	sor.u32 $0xD0000000, s2;
	s6 =	simm.s32 $0x108;
	_ =	swait.ge @!p0 [sflag:s8], $0x0  }
0x24: {  	s3 =	sadd.s32 $0x88, s3;
	s6 =	simm.s32 @!p1 $0x1082;
	[sflag:s4] =	ssyncset.s32 $0xFFFFF086  }
0x25: {  	[simem:s6], [sflag:s4] =	dma.local [hbm:s3], $0xF7A  }
0x26: {  	[smem:$0x3F97] =	sst s1;
	(tag) =	ssettag s2;
	_ =	strace s9  }
0x27: {  	s1 =	sld [smem:$0x3FA7]  }
0x28: {  	s2 =	sld [smem:$0x3FA8]  }
0x29: {  	s4 =	sld [smem:$0x3FAA]  }
0x2a: {  	p0 =	seq.s32 s5, $0x0;
	s5 =	sld [smem:$0x3FAB]  }
0x2b: {  	s6 =	sld [smem:$0x3FAC]  }
0x2c: {  	s7 =	sld [smem:$0x3FAD]  }
0x2d: {  	s3 =	simm.s32 $0x108;
	s8 =	sld [smem:$0x3FAE]  }
0x2e: {  	s3 =	simm.s32 @!p0 $0x1082;
	s9 =	sld [smem:$0x3FAF]  }
0x2f: {  	lr =	sadd.s32 s0, s3;
	s0 =	sld [smem:$0x3FA6]  }
0x30: {  	s3 =	sld [smem:$0x3FA9]  }
0x31: {  	[smem:$0x3FB2] =	sst s10  }
0x32: {  	s10 =	sld [smem:$0x3FB0];
	_ =	sdelay $0x3  }
0x33: {  	p0 =	seq.s32 s10, $0x1;
	s10 =	sld [smem:$0x3FB2];
	_ =	sdelay $0x3  }
0x34: {  	[smem:$0x3FB2] =	sst s10  }
0x35: {  	s10 =	sld [smem:$0x3FB1];
	_ =	sdelay $0x3  }
0x36: {  	p1 =	seq.s32 s10, $0x1;
	s10 =	sld [smem:$0x3FB2];
	_ =	sdelay $0x3  }
0x37: {  	[smem:$0x3FB2] =	sst s10  }
0x38: {  	s10 =	sld [smem:$0x3FB3]  }
0x39: {  	_ = 	snop;
	(pc) =	sbr.ind lr, $3  }
0x3a: {  	_ = 	snop  }
0x3b: {  	_ = 	snop  }
0x3c: {  	p2 =	seq.s32 s10, $0x1;
	s10 =	sld [smem:$0x3FB2]  }
0x3d: {  	_ =	shalt  }
0x3e: {  	_ =	shalt  }
0x3f: {  	_ =	shalt  }
0x40: {  	_ =	shalt  }
0x41: {  	_ =	shalt  }
0x42: {  	_ =	shalt  }
0x43: {  	_ =	shalt  }
0x44: {  	_ =	shalt  }
0x45: {  	_ =	shalt  }
0x46: {  	_ =	shalt  }
0x47: {  	_ =	shalt  }
0x48: {  	_ =	shalt  }
0x49: {  	_ =	shalt  }
0x4a: {  	_ =	shalt  }
0x4b: {  	_ =	shalt  }
0x4c: {  	_ =	shalt  }
0x4d: {  	_ =	shalt  }
0x4e: {  	_ =	shalt  }
0x4f: {  	_ =	shalt  }
0x50: {  	_ =	shalt  }
0x51: {  	_ =	shalt  }
0x52: {  	_ =	shalt  }
0x53: {  	_ =	shalt  }
0x54: {  	_ =	shalt  }
0x55: {  	_ =	shalt  }
0x56: {  	_ =	shalt  }
0x57: {  	_ =	shalt  }
0x58: {  	_ =	shalt  }
0x59: {  	_ =	shalt  }
0x5a: {  	_ =	shalt  }
0x5b: {  	_ =	shalt  }
0x5c: {  	_ =	shalt  }
0x5d: {  	_ =	shalt  }
0x5e: {  	_ =	shalt  }
0x5f: {  	_ =	shalt  }
0x60: {  	_ =	shalt  }
0x61: {  	_ =	shalt  }
0x62: {  	_ =	shalt  }
0x63: {  	_ =	shalt  }
0x64: {  	_ =	shalt  }
0x65: {  	_ =	shalt  }
0x66: {  	_ =	shalt  }
0x67: {  	_ =	shalt  }
0x68: {  	_ =	shalt  }
0x69: {  	_ =	shalt  }
0x6a: {  	_ =	shalt  }
0x6b: {  	_ =	shalt  }
0x6c: {  	_ =	shalt  }
0x6d: {  	_ =	shalt  }
0x6e: {  	_ =	shalt  }
0x6f: {  	_ =	shalt  }
0x70: {  	_ =	shalt  }
0x71: {  	_ =	shalt  }
0x72: {  	_ =	shalt  }
0x73: {  	_ =	shalt  }
0x74: {  	_ =	shalt  }
0x75: {  	_ =	shalt  }
0x76: {  	_ =	shalt  }
0x77: {  	_ =	shalt  }
0x78: {  	_ =	shalt  }
0x79: {  	_ =	shalt  }
0x7a: {  	_ =	shalt  }
0x7b: {  	_ =	shalt  }
0x7c: {  	_ =	shalt  }
0x7d: {  	_ =	shalt  }
0x7e: {  	_ =	shalt  }
0x7f: {  	_ =	shalt  }
0x80: {  	_ =	shalt  }
0x81: {  	_ =	shalt  }
0x82: {  	_ =	shalt  }
0x83: {  	_ =	shalt  }
0x84: {  	_ =	shalt  }
0x85: {  	_ =	shalt  }
0x86: {  	_ =	shalt  }
0x87: {  	_ =	shalt  }
.Lfunc_end0:
.L_simem_size_0:
called_computation.1_lowered:
.L_overlay_start_0:
0x88: {  	s2 =	sld [smem:$0x3FD9]  }
0x89: {  	s3 =	sld [smem:$0x3FFE];
	_ =	sdelay $0x1  }
0x8a: {  	s1 =	srdreg.scid  }
0x8b: {  	s0 =	sand.u32 $0x1, s1  }
0x8c: {  	s16 =	sshll.u32 s0, $0xA;
	s2 =	sadd.s32 s3, s2  }
0x8d: {  	s2 =	sadd.s32 s2, s16  }
0x8e: {  	[smem:$0x3FBE] =	sst s2  }
0x8f: {  	_ = 	snop  }
0x90: {  	(tm) =	ssettm $0x1  }
0x91: {  	s17 =	sld [smem:$0x3FFB];
	_ =	sdelay $0x3  }
0x92: {  	_ =	strace s17  }
0x93: {  	s2 =	sld [smem:$0x3FFC];
	_ =	sdelay $0x3  }
0x94: {  	_ =	strace s2  }
0x95: {  	s2 =	sld [smem:$0x3FFD];
	_ =	sdelay $0x3  }
0x96: {  	_ =	strace s2  }
0x97: {  	_ =	strace $0x8FFFFFFF  }
0x98: {  	s18 =	sld [smem:$0x3FDB];
	_ =	sdelay $0x1  }
0x99: {  	s19 =	simm.s32 $_scs_section_size  }
0x9a: {  	s4 =	simm.s32 $_size__tile_overlayer_lowered;
	s5 =	simm.s32 $_tile_overlayer_lowered  }
0x9b: {  	s22 =	simm.s32 $0x1BFF;
	s21 =	sshll.u32 s5, $0x1;
	s2 =	sadd.s32 s19, s18  }
0x9c: {  	s6 =	simm.s32 $0x0;
	s20 =	sshll.u32 s4, $0x1;
	s4 =	sadd.s32 s21, s2  }
0x9d: {  	[timem:s6], [sflag:s22] =	dma.local [hbm:s4], s20  }
0x9e: {  	_ =	swait.ge [sflag:s22], s20  }
0x9f: {  	s3 =	ssub.s32 $0x0, s20;
	[sflag:s22] =	ssyncset.done $0x0  }
0xa0: {  	[sflag:s22] =	ssyncadd.s32 s3;
	_ =	sdelay $0x1  }
0xa1: {  	s23 =	simm.s32 $0x1B8B  }
0xa2: {  	_ =	swait.ge [sflag:s23], $0x1  }
0xa3: {  	[sflag:s23] =	ssyncset.done $0x0  }
0xa4: {  	s25 =	simm.s32 $0x1B8E;
	s24 =	sld [smem:$0x3FFE];
	[sflag:s23] =	ssyncadd.s32 $0xFFFFFFFF  }
0xa5: {  	s26 =	simm.s32 $execute0_lowered;
	[smem:$0x3FD2] =	sst s25  }
0xa6: {  	s4 =	sshll.u32 s26, $0x1;
	_ =	strace $0x80000046;
	[dreg:$0x1] =	wrdreg $0xFFFFFFFF  }
0xa7: {  	s28 =	simm.s32 $_size_execute0_lowered;
	s2 =	sadd.s32 s2, s4;
	[dreg:$0x0] =	wrdreg $0x0  }
0xa8: {  	s4 =	sshll.u32 s28, $0x1;
	[dreg:$0x2] =	wrdreg s2  }
0xa9: {  	[dreg:$0x3] =	wrdreg s4  }
0xaa: {  	[dreg:$0x4] =	wrdreg $0xC0  }
0xab: {  	_ =	task [dreg:s6], $0x5FFFF  }
0xac: {  	[dreg:$0x1] =	wrdreg $0xFFFFFFFF  }
0xad: {  	[dreg:$0x0] =	wrdreg $0x60  }
0xae: {  	[dreg:$0x2] =	wrdreg s24  }
0xaf: {  	[dreg:$0x3] =	wrdreg $0xA  }
0xb0: {  	_ =	task.clear_ibuf [dreg:s6], $0x4FFFF;
	_ =	strace $0x90000046  }
0xb1: {  	s29 =	simm.s32 $0xA;
	_ =	strace $0x80000048  }
0xb2: {  	_ =	swait.ge [sflag:s29], $0x1  }
0xb3: {  	[sflag:s29] =	ssyncadd.s32 $0xFFFFFFFF  }
0xb4: {  	_ =	strace $0x90000048  }
0xb5: {  	_ =	sfence  }
0xb6: {  	s30 =	sld [smem:$0x0];
	_ =	sdelay $0x2  }
0xb7: {  	s31 =	sshll.u32 s1, $0xD;
	s1 =	sshrl.u32 s1, $0x2  }
0xb8: {  	s3 =	sand.u32 $0x4000, s31;
	s1 =	sadd.s32 s1, s30  }
0xb9: {  	s0 =	sor.u32 s3, s0;
	s1 =	sshll.u32 s1, $0x11  }
0xba: {  	s0 =	sor.u32 s1, s0  }
0xbb: {  	s0 =	sadd.s32 $0x8F2B, s0  }
0xbc: {  	[sflag:s0] =	ssyncadd.remote.s32 $0x1  }
0xbd: {  	_ =	sfence.sel $0xFFFF  }
0xbe: {  	[dreg:$0x0] =	wrdreg $0xFFFFFFFF;
	(pc) =	sbr.abs _section_cstart, $3  }
0xbf: {  	[dreg:$0x1] =	wrdreg $0xFFFFFFFF  }
0xc0: {  	_ =	task.clear_ibuf [dreg:s6], $0x2FFFF;
	_ =	strace $0x9FFFFFFF  }
0xc1: {  	(tm) =	ssettm $0x7FFFFFFF  }
tec
execute0_lowered:
.L_overlay_start_1:
0x0: {  	(tag) =	ssettag $0x1  }
0x1: {  	s5 =	rddreg [dreg:$0x0]  }
0x2: {  	s0 =	rddreg [dreg:$0x1]  }
0x3: {  	s3 =	srdreg.scid;
	s1 =	stileid.u32;
	s2 =	simm.s32 $0x0  }
0x4: {  	s14 =	simm.s32 $0x1;
	s15 =	simm.s32 $0x2;
	s16 =	simm.s32 $0x200  }
0x5: {  	s17 =	simm.s32 $0x4200;
	s18 =	simm.s32 $0x0;
	s6 =	sand.u32 $0x1, s3  }
0x6: {  	[smem:$0x7FF] =	sst s2;
	s3 =	sadd.s32 $0x2A00, s5;
	s4 =	sadd.s32 $0x189400, s5  }
0x7: {  	s31 =	sshll.u32 s1, $0x1;
	s9 =	sadd.s32 $0x10CC400, s5;
	s10 =	sadd.s32 $0x10EC400, s5  }
0x8: {  	s7 =	sor.u32 s6, s31;
	_ =	strace $0x80000047;
	s6 =	ssub.s32 $0x2, s6  }
0x9: {  	s8 =	sshll.u32 s7, $0x5;
	s11 =	sshrl.u32 s6, $0x1;
	s12 =	sshll.u32 s7, $0xC  }
0xa: {  	s8 =	sadd.s32 s8, s5;
	s11 =	ssub.s32 s6, s11;
	s13 =	sor.u32 $0x800, s12  }
0xb: {  	s7 =	sadd.s32 s9, s12;
	s5 =	sadd.s32 $0x10CBC00, s8;
	s6 =	sadd.s32 $0x10CB800, s8  }
0xc: {  	s8 =	sadd.s32 s10, s12;
	s9 =	sadd.s32 s9, s13;
	s10 =	sadd.s32 s10, s13  }
0xd: {  	v0 =	vlaneseq.u32;
	s11 =	smax.u32 s11, $0x1;
	s12 =	simm.s32 $0x3;
	s13 =	simm.s32 $0x100  }
.LBB2_1:
0xe: {  	[tilespmem:s2], [sflag:$0x3] =	stream.linear.gather [hbm4b:s5+s2], $0x100, $0x38;
	[tilespmem:$0x8200] =	vst v63  }
0xf: {  	_ =	swait.ge [sflag:s12], $0x100  }
0x10: {  	[sflag:s12] =	ssyncset.done $0x0  }
0x11: {  	[sflag:s12] =	ssyncadd.s32 $0xFFFFFF00  }
0x12: {  	[tilespmem:s13], [sflag:$0x3] =	stream.linear.gather [hbm4b:s6+s2], $0x100, $0x38;
	[tilespmem:$0x8200] =	vst v63  }
0x13: {  	_ =	swait.ge [sflag:s12], $0x100  }
0x14: {  	[sflag:s12] =	ssyncset.done $0x0  }
0x15: {  	s19 =	sand.u32 $0x70, s2;
	[sflag:s12] =	ssyncadd.s32 $0xFFFFFF00  }
0x16: {  	v1 =	vld [tilespmem:s19+$0x0]  }
0x17: {  	v2 =	vld [tilespmem:s19+$0x100];
	_ =	sdelay $0x1  }
0x18: {  	s29 =	sand.u32 $0xF, s2  }
0x19: {  	v3 =	vmov s29  }
0x1a: {  	vm0 =	veq.s32 v3, v0;
	v1 =	vxor.u32 $0x80000000, v1  }
0x1b: {  	v2 =	vxor.u32 $0x80000000, v2;
	v1 =	vnsel vm0, $0x80000000, v1  }
0x1c: {  	(xrf0) =	vmax.scan.msk.u32 $0xffff, v1;
	v1 =	vnsel vm0, $0x80000000, v2  }
0x1d: {  	(xrf0) =	vmax.scan.msk.u32 $0xffff, v1;
	_ =	sdelay $0x4  }
0x1e: {  	v1, _, _ =	vpop (xrf0)  }
0x1f: {  	(v2sf) =	vpush v1, $0xF;
	v1, _, _ =	vpop (xrf0)  }
0x20: {  	(v2sf) =	vpush v1, $0xF;
	_ =	sdelay $0xd  }
0x21: {  	s30 =	spop (v2sf)  }
0x22: {  	s19 =	sshll.u32 s30, $0x4;
	s20 =	spop (v2sf)  }
0x23: {  	s19 =	sand.u32 $0x1FFFFFF0, s19;
	s20 =	sshll.u32 s20, $0x4  }
0x24: {  	p1 =	por $0x1, $0x1;
	s19 =	sadd.s32 s3, s19;
	s31 =	sand.u32 $0x1FFFFFF0, s20  }
0x25: {  	[tilespmem:s16], [sflag:$0x1] =	stream.linear.gather [hbm4b:s19+s2], $0x80, $0x38;
	[tilespmem:$0x8200] =	vst v63  }
0x26: {  	s20 =	simm.s32 @!p1 $0x1;
	s19 =	sadd.s32 s4, s31  }
0x27: {  	[tilespmem:s17], [sflag:$0x2] =	stream.linear.gather [hbm4b:s19+s2], $0x80, $0x38;
	[tilespmem:$0x8200] =	vst v63  }
0x28: {  	_ =	swait.ge @!p1 [sflag:s20], $0x80  }
0x29: {  	[sflag:s20] =	ssyncset.done @!p1 $0x0  }
0x2a: {  	s21 =	simm.s32 $0x200;
	s23 =	simm.s32 @!p1 $0x2;
	[sflag:s20] =	ssyncadd.s32 @!p1 $0xFFFFFF80  }
0x2b: {  	s19 =	simm.s32 $0x1;
	s20 =	simm.s32 $0x4280;
	_ =	swait.ge @!p1 [sflag:s23], $0x80  }
.LBB2_2:
0x2c: {  	[sflag:s23] =	ssyncset.done @!p1 $0x0  }
0x2d: {  	s21 =	sadd.s32 $0x80, s21;
	s22 =	smov.u32 s19;
	s19 =	sadd.s32 $0x1, s19  }
0x2e: {  	s24 =	sand.u32 $0x70, s22;
	p0 =	sne.s32 s19, $0x80;
	[sflag:s23] =	ssyncadd.s32 @!p1 $0xFFFFFF80  }
0x2f: {  	v1 =	vld [tilespmem:s24+$0x0];
	_ =	sdelay $0x1  }
0x30: {  	v2 =	vld [tilespmem:s24+$0x100]  }
0x31: {  	s23 =	sand.u32 $0xF, s22  }
0x32: {  	v3 =	vmov s23  }
0x33: {  	vm0 =	veq.s32 v3, v0;
	v1 =	vxor.u32 $0x80000000, v1  }
0x34: {  	v1 =	vnsel vm0, $0x80000000, v1  }
0x35: {  	v2 =	vxor.u32 $0x80000000, v2;
	(xrf0) =	vmax.scan.msk.u32 $0xffff, v1  }
0x36: {  	v1 =	vnsel vm0, $0x80000000, v2  }
0x37: {  	(xrf0) =	vmax.scan.msk.u32 $0xffff, v1;
	_ =	sdelay $0x3  }
0x38: {  	v1, _, _ =	vpop (xrf0)  }
0x39: {  	(v2sf) =	vpush v1, $0xF  }
0x3a: {  	v1, _, _ =	vpop (xrf0)  }
0x3b: {  	(v2sf) =	vpush v1, $0xF;
	_ =	sdelay $0xc  }
0x3c: {  	s23 =	spop (v2sf)  }
0x3d: {  	s23 =	sshll.u32 s23, $0x4  }
0x3e: {  	s23 =	sand.u32 $0x1FFFFFF0, s23;
	s24 =	spop (v2sf)  }
0x3f: {  	s23 =	sadd.s32 s3, s23;
	s24 =	sshll.u32 s24, $0x4  }
0x40: {  	[tilespmem:s21], [sflag:$0x1] =	stream.linear.gather [hbm4b:s23+s2], $0x80, $0x38;
	[tilespmem:$0x8200] =	vst v63  }
0x41: {  	p1 =	slt.u32 s22, $0x18;
	s23 =	sand.u32 $0x1FFFFFF0, s24  }
0x42: {  	s24 =	simm.s32 @!p1 $0x1;
	s22 =	sadd.s32 s4, s23  }
0x43: {  	[tilespmem:s20], [sflag:$0x2] =	stream.linear.gather [hbm4b:s22+s2], $0x80, $0x38;
	[tilespmem:$0x8200] =	vst v63  }
.Ltmp0:
0x44: {  	_ = 	snop;
	(pc) =	sbr.rel @p0 .LBB2_2-.Ltmp0, $4  }
0x45: {  	_ =	swait.ge @!p1 [sflag:s24], $0x80  }
0x46: {  	s23 =	simm.s32 @!p1 $0x2;
	[sflag:s24] =	ssyncset.done @!p1 $0x0  }
0x47: {  	[sflag:s24] =	ssyncadd.s32 @!p1 $0xFFFFFF80  }
0x48: {  	s20 =	sadd.s32 $0x80, s20;
	_ =	swait.ge @!p1 [sflag:s23], $0x80  }
0x49: {  	[sflag:s23] =	ssyncset.done @!p1 $0x0  }
0x4a: {  	[sflag:s23] =	ssyncadd.s32 @!p1 $0xFFFFFF80  }
0x4b: {  	_ =	swait.ge [sflag:s14], $0x80  }
0x4c: {  	[sflag:s14] =	ssyncset.done $0x0  }
0x4d: {  	[sflag:s14] =	ssyncadd.s32 $0xFFFFFF80  }
0x4e: {  	_ =	swait.ge [sflag:s15], $0x80  }
0x4f: {  	s19 =	simm.s32 $0x17;
	[sflag:s15] =	ssyncset.done $0x0  }
.LBB2_4:
0x50: {  	p0 =	sne.s32 s19, $0x1;
	s19 =	sadd.s32 $0xFFFFFFFF, s19;
	[sflag:s15] =	ssyncadd.s32 $0xFFFFFF80  }
.Ltmp1:
0x51: {  	_ =	swait.ge [sflag:s14], $0x80;
	(pc) =	sbr.rel @p0 .LBB2_4-.Ltmp1, $4  }
0x52: {  	[sflag:s14] =	ssyncset.done $0x0  }
0x53: {  	[sflag:s14] =	ssyncadd.s32 $0xFFFFFF80  }
0x54: {  	_ =	swait.ge [sflag:s15], $0x80  }
0x55: {  	[sflag:s15] =	ssyncset.done $0x0  }
0x56: {  	[sflag:s15] =	ssyncadd.s32 $0xFFFFFF80;
	s20 =	simm.s32 $0x0;
	s19 =	simm.s32 $0x200  }
0x57: {  	[hbm4b:s7+s20] =	stream.linear.scatter [tilespmem:s19], [sflag:$0x3], $0x4000, $0x38;
	[tilespmem:$0x8200] =	vst v63  }
0x58: {  	_ =	swait.ge [sflag:s12], $0x4000  }
0x59: {  	[sflag:s12] =	ssyncset.done $0x0  }
0x5a: {  	s21 =	simm.s32 $0x4200;
	[sflag:s12] =	ssyncadd.s32 $0xFFFFC000  }
0x5b: {  	[hbm4b:s8+s20] =	stream.linear.scatter [tilespmem:s21], [sflag:$0x3], $0x4000, $0x38;
	[tilespmem:$0x8200] =	vst v63  }
0x5c: {  	_ =	swait.ge [sflag:s12], $0x4000  }
0x5d: {  	[sflag:s12] =	ssyncset.done $0x0  }
0x5e: {  	s22 =	sand.u32 $0x70, s20;
	[sflag:s12] =	ssyncadd.s32 $0xFFFFC000  }
0x5f: {  	v1 =	vld [tilespmem:s22+$0x80]  }
0x60: {  	v2 =	vld [tilespmem:s22+$0x180];
	_ =	sdelay $0x1  }
0x61: {  	s20 =	sand.u32 $0xF, s20  }
0x62: {  	v3 =	vmov s20  }
0x63: {  	vm0 =	veq.s32 v3, v0;
	v1 =	vxor.u32 $0x80000000, v1  }
0x64: {  	v2 =	vxor.u32 $0x80000000, v2;
	v1 =	vnsel vm0, $0x80000000, v1  }
0x65: {  	(xrf0) =	vmax.scan.msk.u32 $0xffff, v1;
	v1 =	vnsel vm0, $0x80000000, v2  }
0x66: {  	(xrf0) =	vmax.scan.msk.u32 $0xffff, v1;
	_ =	sdelay $0x4  }
0x67: {  	v1, _, _ =	vpop (xrf0)  }
0x68: {  	(v2sf) =	vpush v1, $0xF;
	v1, _, _ =	vpop (xrf0)  }
0x69: {  	(v2sf) =	vpush v1, $0xF;
	_ =	sdelay $0xd  }
0x6a: {  	s29 =	spop (v2sf)  }
0x6b: {  	s20 =	sshll.u32 s29, $0x4;
	s30 =	spop (v2sf)  }
0x6c: {  	s20 =	sand.u32 $0x1FFFFFF0, s20;
	s22 =	sshll.u32 s30, $0x4  }
0x6d: {  	p1 =	por $0x1, $0x1;
	s20 =	sadd.s32 s3, s20;
	s31 =	sand.u32 $0x1FFFFFF0, s22  }
0x6e: {  	[tilespmem:s19], [sflag:$0x1] =	stream.linear.gather [hbm4b:s20+s2], $0x80, $0x38;
	[tilespmem:$0x8200] =	vst v63  }
0x6f: {  	s22 =	simm.s32 @!p1 $0x1;
	s20 =	sadd.s32 s4, s31  }
0x70: {  	[tilespmem:s21], [sflag:$0x2] =	stream.linear.gather [hbm4b:s20+s2], $0x80, $0x38;
	[tilespmem:$0x8200] =	vst v63  }
0x71: {  	_ =	swait.ge @!p1 [sflag:s22], $0x80  }
0x72: {  	[sflag:s22] =	ssyncset.done @!p1 $0x0  }
0x73: {  	s23 =	simm.s32 @!p1 $0x2;
	[sflag:s22] =	ssyncadd.s32 @!p1 $0xFFFFFF80  }
0x74: {  	s20 =	simm.s32 $0x1;
	s21 =	simm.s32 $0x4280;
	_ =	swait.ge @!p1 [sflag:s23], $0x80  }
.LBB2_6:
0x75: {  	[sflag:s23] =	ssyncset.done @!p1 $0x0  }
0x76: {  	s19 =	sadd.s32 $0x80, s19;
	s22 =	smov.u32 s20;
	s20 =	sadd.s32 $0x1, s20  }
0x77: {  	s24 =	sand.u32 $0x70, s22;
	p0 =	sne.s32 s20, $0x80;
	[sflag:s23] =	ssyncadd.s32 @!p1 $0xFFFFFF80  }
0x78: {  	v1 =	vld [tilespmem:s24+$0x80];
	_ =	sdelay $0x1  }
0x79: {  	v2 =	vld [tilespmem:s24+$0x180]  }
0x7a: {  	s23 =	sand.u32 $0xF, s22  }
0x7b: {  	v3 =	vmov s23  }
0x7c: {  	vm0 =	veq.s32 v3, v0;
	v1 =	vxor.u32 $0x80000000, v1  }
0x7d: {  	v1 =	vnsel vm0, $0x80000000, v1  }
0x7e: {  	v2 =	vxor.u32 $0x80000000, v2;
	(xrf0) =	vmax.scan.msk.u32 $0xffff, v1  }
0x7f: {  	v1 =	vnsel vm0, $0x80000000, v2  }
0x80: {  	(xrf0) =	vmax.scan.msk.u32 $0xffff, v1;
	_ =	sdelay $0x3  }
0x81: {  	v1, _, _ =	vpop (xrf0)  }
0x82: {  	(v2sf) =	vpush v1, $0xF  }
0x83: {  	v1, _, _ =	vpop (xrf0)  }
0x84: {  	(v2sf) =	vpush v1, $0xF;
	_ =	sdelay $0xc  }
0x85: {  	s23 =	spop (v2sf)  }
0x86: {  	s23 =	sshll.u32 s23, $0x4  }
0x87: {  	s23 =	sand.u32 $0x1FFFFFF0, s23;
	s24 =	spop (v2sf)  }
0x88: {  	s23 =	sadd.s32 s3, s23;
	s24 =	sshll.u32 s24, $0x4  }
0x89: {  	[tilespmem:s19], [sflag:$0x1] =	stream.linear.gather [hbm4b:s23+s2], $0x80, $0x38;
	[tilespmem:$0x8200] =	vst v63  }
0x8a: {  	p1 =	slt.u32 s22, $0x18;
	s23 =	sand.u32 $0x1FFFFFF0, s24  }
0x8b: {  	s24 =	simm.s32 @!p1 $0x1;
	s22 =	sadd.s32 s4, s23  }
0x8c: {  	[tilespmem:s21], [sflag:$0x2] =	stream.linear.gather [hbm4b:s22+s2], $0x80, $0x38;
	[tilespmem:$0x8200] =	vst v63  }
.Ltmp2:
0x8d: {  	_ = 	snop;
	(pc) =	sbr.rel @p0 .LBB2_6-.Ltmp2, $4  }
0x8e: {  	_ =	swait.ge @!p1 [sflag:s24], $0x80  }
0x8f: {  	s23 =	simm.s32 @!p1 $0x2;
	[sflag:s24] =	ssyncset.done @!p1 $0x0  }
0x90: {  	[sflag:s24] =	ssyncadd.s32 @!p1 $0xFFFFFF80  }
0x91: {  	s21 =	sadd.s32 $0x80, s21;
	_ =	swait.ge @!p1 [sflag:s23], $0x80  }
0x92: {  	[sflag:s23] =	ssyncset.done @!p1 $0x0  }
0x93: {  	[sflag:s23] =	ssyncadd.s32 @!p1 $0xFFFFFF80  }
0x94: {  	_ =	swait.ge [sflag:s14], $0x80  }
0x95: {  	[sflag:s14] =	ssyncset.done $0x0  }
0x96: {  	[sflag:s14] =	ssyncadd.s32 $0xFFFFFF80  }
0x97: {  	_ =	swait.ge [sflag:s15], $0x80  }
0x98: {  	s19 =	simm.s32 $0x17;
	[sflag:s15] =	ssyncset.done $0x0  }
.LBB2_8:
0x99: {  	p0 =	sne.s32 s19, $0x1;
	s19 =	sadd.s32 $0xFFFFFFFF, s19;
	[sflag:s15] =	ssyncadd.s32 $0xFFFFFF80  }
.Ltmp3:
0x9a: {  	_ =	swait.ge [sflag:s14], $0x80;
	(pc) =	sbr.rel @p0 .LBB2_8-.Ltmp3, $4  }
0x9b: {  	[sflag:s14] =	ssyncset.done $0x0  }
0x9c: {  	[sflag:s14] =	ssyncadd.s32 $0xFFFFFF80  }
0x9d: {  	_ =	swait.ge [sflag:s15], $0x80  }
0x9e: {  	[sflag:s15] =	ssyncset.done $0x0  }
0x9f: {  	[sflag:s15] =	ssyncadd.s32 $0xFFFFFF80  }
0xa0: {  	[hbm4b:s9+s2] =	stream.linear.scatter [tilespmem:s16], [sflag:$0x3], $0x4000, $0x38;
	[tilespmem:$0x8200] =	vst v63  }
0xa1: {  	s18 =	sadd.s32 $0x1, s18;
	_ =	swait.ge [sflag:s12], $0x4000  }
0xa2: {  	p0 =	sne.s32 s18, s11;
	[sflag:s12] =	ssyncset.done $0x0  }
.Ltmp4:
0xa3: {  	[sflag:s12] =	ssyncadd.s32 $0xFFFFC000;
	(pc) =	sbr.rel @p0 .LBB2_1-.Ltmp4, $4  }
0xa4: {  	[hbm4b:s10+s2] =	stream.linear.scatter [tilespmem:s17], [sflag:$0x3], $0x4000, $0x38;
	[tilespmem:$0x8200] =	vst v63  }
0xa5: {  	_ =	swait.ge [sflag:s12], $0x4000  }
0xa6: {  	[sflag:s12] =	ssyncset.done $0x0  }
0xa7: {  	[sflag:s12] =	ssyncadd.s32 $0xFFFFC000  }
0xa8: {  	_ =	sfence.sel $0x180000  }
0xa9: {  	[bflag:$0x0] =	sbarrier.arrive $0xFFFF  }
0xaa: {  	p0 =	sne.s32 s1, $0x0;
	_ =	strace $0x90000047  }
0xab: {  	s0 =	sadd.s32 @!p0 $0x100000, s0;
	[bflag:$0x2] =	sbarrier.arrive $0xFFFF  }
0xac: {  	[sflag:s0] =	ssyncadd.tile.s32 @!p0 $0x1;
	_ =	shalt  }
.Lfunc_end2:
_tile_overlayer_lowered:
.L_overlay_start_2:
0xad: {  	(tag) =	ssettag $0x2  }
0xae: {  	s0 =	rddreg [dreg:$0x0];
	s2 =	stileid.u32  }
0xaf: {  	s1 =	rddreg [dreg:$0x1];
	p0 =	sne.s32 s2, $0x0  }
0xb0: {  	s3 =	rddreg [dreg:$0x2];
	[bflag:$0x3] =	sbarrier.arrive $0xFFFF;
	s2 =	simm.s32 @!p0 $0x1C03  }
0xb1: {  	[timem:s3], [sflag:s2] =	dma.local @!p0 [hbm:s0], s1  }
0xb2: {  	s0 =	simm.s32 @!p0 $0x3  }
0xb3: {  	_ =	swait.ge @!p0 [sflag:s0], s1  }
0xb4: {  	s1 =	ssub.s32 @!p0 $0x0, s1;
	[sflag:s0] =	ssyncset.done @!p0 $0x0  }
0xb5: {  	[sflag:s0] =	ssyncadd.s32 @!p0 s1  }
0xb6: {  	[bflag:$0x3] =	sbarrier.arrive $0xFFFF  }
0xb7: {  	_ =	shalt  }

</sc_bundles>
